<compile_context>
chip_gen: v7x
topology: tpu7x:2x2x1
jax: 0.10.2.dev20260603
libtpu: 0.0.44.dev20260713+nightly
codegen_flags: <defaults>
</compile_context>

<pallas_src>
import jax
import jax.numpy as jnp
from jax import lax
from jax.experimental import pallas as pl
from jax.experimental.pallas import tpu as pltpu
from jax.experimental.pallas import tpu_sc as plsc

N = 10000
E = 160000
C_IN = 256
C_OUT = 256
HALF = 128
NS = 16
NC = 2
CH = 624
TAIL = N - NS * CH

NP = 10240
CH1 = NP // NS

B1 = 128
EPW = 4992
NB1 = EPW // B1
REM = E - NC * NS * EPW
REMB = REM // B1

B2 = 128
EPT = 9984
NB2 = EPT // B2
REM2 = E - NS * EPT
REMB2 = REM2 // B2


def _make_mesh():
    return plsc.VectorSubcoreMesh(
        core_axis_name="c", subcore_axis_name="s", num_cores=NC, num_subcores=NS
    )


def _deg_body(dst_hbm, degp_hbm, dacc, idx_v, ones_v, zbuf):
    c = lax.axis_index("c")
    s = lax.axis_index("s")
    ones = jnp.ones((16,), jnp.float32)
    zeros = jnp.zeros((16,), jnp.float32)

    @pl.loop(0, B1 // 16)
    def _(i):
        ones_v[pl.ds(i * 16, 16)] = ones

    @pl.loop(0, CH1 // 16)
    def _(i):
        zbuf[pl.ds(i * 16, 16)] = zeros

    r0 = s * CH1
    pltpu.sync_copy(zbuf, dacc.at[pl.ds(r0, CH1)])
    plsc.subcore_barrier()
    base = (c * NS + s) * EPW

    @pl.loop(0, NB1)
    def _(g):
        pltpu.sync_copy(dst_hbm.at[pl.ds(base + g * B1, B1)], idx_v)
        pltpu.sync_copy(ones_v, dacc.at[idx_v], add=True)

    @pl.when((c == 0) & (s == 0))
    def _():
        @pl.loop(0, REMB)
        def _(g):
            pltpu.sync_copy(dst_hbm.at[pl.ds(NC * NS * EPW + g * B1, B1)], idx_v)
            pltpu.sync_copy(ones_v, dacc.at[idx_v], add=True)

    plsc.subcore_barrier()
    pltpu.sync_copy(dacc.at[pl.ds(r0, CH1)], degp_hbm.at[pl.ds(c * NP + r0, CH1)])


def _make_deg():
    return pl.kernel(
        _deg_body,
        out_type=jax.ShapeDtypeStruct((NC * NP,), jnp.float32),
        mesh=_make_mesh(),
        scratch_types=[
            pltpu.VMEM_SHARED((NP,), jnp.float32),
            pltpu.VMEM((B1,), jnp.int32),
            pltpu.VMEM((B1,), jnp.float32),
            pltpu.VMEM((CH1,), jnp.float32),
        ],
    )


def _agg_body(src2_hbm, dst_hbm, hs2_hbm, z128_hbm, acc2_hbm, asp,
              sidx0, sidx1, didx0, didx1, rows0, rows1, sem0, sem1, ssem0, ssem1):
    c = lax.axis_index("c")
    s = lax.axis_index("s")
    r0 = s * CH
    pltpu.sync_copy(z128_hbm.at[pl.ds(r0, CH)], asp.at[pl.ds(r0, CH)])

    @pl.when(s == 0)
    def _():
        pltpu.sync_copy(z128_hbm.at[pl.ds(NS * CH, TAIL)], asp.at[pl.ds(NS * CH, TAIL)])

    plsc.subcore_barrier()
    eb = s * EPT
    sb = c * E + eb
    sidx = (sidx0, sidx1)
    didx = (didx0, didx1)
    rows = (rows0, rows1)
    sems = (sem0, sem1)
    ssems = (ssem0, ssem1)

    pltpu.sync_copy(src2_hbm.at[pl.ds(sb, B2)], sidx0)
    pltpu.sync_copy(dst_hbm.at[pl.ds(eb, B2)], didx0)
    pltpu.async_copy(hs2_hbm.at[sidx0], rows0, sem0)

    @pl.loop(0, NB2 // 2)
    def _(h):
        for b in range(2):
            g = 2 * h + b
            nxt = g + 1
            nb = 1 - b

            @pl.when(nxt < NB2)
            def _():
                @pl.when(g >= 1)
                def _():
                    pltpu.make_async_copy(rows[nb], asp.at[didx[nb]], ssems[nb]).wait()

                pltpu.sync_copy(src2_hbm.at[pl.ds(sb + nxt * B2, B2)], sidx[nb])
                pltpu.sync_copy(dst_hbm.at[pl.ds(eb + nxt * B2, B2)], didx[nb])
                pltpu.async_copy(hs2_hbm.at[sidx[nb]], rows[nb], sems[nb])

            pltpu.make_async_copy(hs2_hbm.at[sidx[b]], rows[b], sems[b]).wait()
            pltpu.async_copy(rows[b], asp.at[didx[b]], ssems[b], add=True)

    pltpu.make_async_copy(rows0, asp.at[didx0], ssem0).wait()
    pltpu.make_async_copy(rows1, asp.at[didx1], ssem1).wait()

    @pl.when(s == 0)
    def _():
        @pl.loop(0, REMB2)
        def _(g):
            pltpu.sync_copy(src2_hbm.at[pl.ds(c * E + NS * EPT + g * B2, B2)], sidx0)
            pltpu.sync_copy(dst_hbm.at[pl.ds(NS * EPT + g * B2, B2)], didx0)
            pltpu.async_copy(hs2_hbm.at[sidx0], rows0, sem0).wait()
            pltpu.sync_copy(rows0, asp.at[didx0], add=True)

    plsc.subcore_barrier()
    for rep in range(2):
        g = s + NS * rep

        @pl.when(g < NBM)
        def _():
            pltpu.sync_copy(
                asp.at[pl.ds(g * BM, BM)],
                acc2_hbm.at[pl.ds(g * 2 * BM + c * BM, BM)],
            )


def _make_agg():
    return pl.kernel(
        _agg_body,
        out_type=jax.ShapeDtypeStruct((NC * N, HALF), jnp.float32),
        mesh=_make_mesh(),
        scratch_types=[
            pltpu.VMEM_SHARED((N, HALF), jnp.float32),
            pltpu.VMEM((B2,), jnp.int32),
            pltpu.VMEM((B2,), jnp.int32),
            pltpu.VMEM((B2,), jnp.int32),
            pltpu.VMEM((B2,), jnp.int32),
            pltpu.VMEM((B2, HALF), jnp.float32),
            pltpu.VMEM((B2, HALF), jnp.float32),
            pltpu.SemaphoreType.DMA,
            pltpu.SemaphoreType.DMA,
            pltpu.SemaphoreType.DMA,
            pltpu.SemaphoreType.DMA,
        ],
    )


BM = 400
NBM = N // BM


def _dinv_col(eye_b, d0_b, d1_b, i):
    d0 = d0_b[pl.ds(i, 1), :]
    d1 = d1_b[pl.ds(i, 1), :]
    dinv_row = lax.rsqrt(1.0 + d0 + d1)
    return lax.dot_general(eye_b[...], dinv_row, (((1,), (1,)), ((), ())),
                           preferred_element_type=jnp.float32)


def _mm_body(x_b, w_b, eye_b, d0_b, d1_b, o_b):
    dinv = _dinv_col(eye_b, d0_b, d1_b, pl.program_id(0))
    h = jnp.dot(x_b[...], w_b[...], preferred_element_type=jnp.float32)
    o_b[pl.ds(0, BM), :] = h[:, :HALF] * dinv
    o_b[pl.ds(BM, BM), :] = h[:, HALF:] * dinv


def _make_mm():
    return pl.pallas_call(
        _mm_body,
        grid=(NBM,),
        in_specs=[
            pl.BlockSpec((BM, C_IN), lambda i: (i, 0)),
            pl.BlockSpec((C_IN, C_OUT), lambda i: (0, 0)),
            pl.BlockSpec((BM, BM), lambda i: (0, 0)),
            pl.BlockSpec((NBM, BM), lambda i: (0, 0)),
            pl.BlockSpec((NBM, BM), lambda i: (0, 0)),
        ],
        out_specs=pl.BlockSpec((2 * BM, HALF), lambda i: (i, 0)),
        out_shape=jax.ShapeDtypeStruct((NC * N, HALF), jnp.float32),
    )


def _fin_body(a_b, h_b, eye_b, d0_b, d1_b, b_b, o_b):
    dinv = _dinv_col(eye_b, d0_b, d1_b, pl.program_id(0))
    t0 = (a_b[pl.ds(0, BM), :] + h_b[pl.ds(0, BM), :]) * dinv
    t1 = (a_b[pl.ds(BM, BM), :] + h_b[pl.ds(BM, BM), :]) * dinv
    o_b[...] = jnp.maximum(jnp.concatenate([t0, t1], axis=1) + b_b[...], 0.0)


def _make_fin():
    return pl.pallas_call(
        _fin_body,
        grid=(NBM,),
        in_specs=[
            pl.BlockSpec((2 * BM, HALF), lambda i: (i, 0)),
            pl.BlockSpec((2 * BM, HALF), lambda i: (i, 0)),
            pl.BlockSpec((BM, BM), lambda i: (0, 0)),
            pl.BlockSpec((NBM, BM), lambda i: (0, 0)),
            pl.BlockSpec((NBM, BM), lambda i: (0, 0)),
            pl.BlockSpec((1, C_OUT), lambda i: (0, 0)),
        ],
        out_specs=pl.BlockSpec((BM, C_OUT), lambda i: (i, 0)),
        out_shape=jax.ShapeDtypeStruct((N, C_OUT), jnp.float32),
    )


def kernel(x, edge_index, W, b):
    ei = edge_index.astype(jnp.int32)
    src = ei[0]
    dst = ei[1]
    blk = src // BM
    off = src % BM
    src2 = jnp.concatenate([blk * (2 * BM) + off, blk * (2 * BM) + BM + off])
    z128 = jnp.zeros((N, HALF), jnp.float32)
    eye = jnp.eye(BM, dtype=jnp.float32)

    degp = _make_deg()(dst)
    d0 = degp[:N].reshape(NBM, BM)
    d1 = degp[NP:NP + N].reshape(NBM, BM)
    hs2 = _make_mm()(x, W, eye, d0, d1)
    acc2 = _make_agg()(src2, dst, hs2, z128)
    return _make_fin()(acc2, hs2, eye, d0, d1, b.reshape(1, C_OUT))

# --- scband reference (transcript-rebuilt; emitter-appended) ---
"""Pipeline reference for scband-temporal-graph-conv-41867341201537 (READ-ONLY COPY).

The authoritative reference and input builder live on the scoring server;
editing this copy changes nothing except your own understanding.
"""

import jax, jax.numpy as jnp
import numpy as np

N_NODES = 10000
N_EDGES = 160000
IN_CH = 256
OUT_CH = 256


def setup_inputs(seed: int = 0) -> dict:
    key = jax.random.key(seed)
    k1, k2, k3, k4 = jax.random.split(key, 4)
    x = jax.random.normal(k1, (N_NODES, IN_CH), dtype=jnp.float32)
    edge_index = jax.random.randint(k2, (2, N_EDGES), 0, N_NODES, dtype=jnp.int64)
    # GCNConv linear weight (glorot init) and bias (zeros init in PyG; use small values)
    limit = float(np.sqrt(6.0 / (IN_CH + OUT_CH)))
    W = jax.random.uniform(k3, (IN_CH, OUT_CH), dtype=jnp.float32, minval=-limit, maxval=limit)
    b = jnp.zeros((OUT_CH,), dtype=jnp.float32)
    return {"x": x, "edge_index": edge_index, "W": W, "b": b}


def reference(x, edge_index, W, b):
    # Faithful PyG GCNConv: add self-loops, symmetric normalization,
    # linear transform, scatter-add aggregation, bias, then ReLU.
    N = x.shape[0]
    src = edge_index[0]
    dst = edge_index[1]
    loop = jnp.arange(N, dtype=src.dtype)
    src = jnp.concatenate([src, loop])
    dst = jnp.concatenate([dst, loop])
    # degree computed on destination nodes (flow: source_to_target)
    deg = jnp.zeros((N,), dtype=jnp.float32).at[dst].add(1.0)
    deg_inv_sqrt = jnp.where(deg > 0, deg ** -0.5, 0.0)
    norm = deg_inv_sqrt[src] * deg_inv_sqrt[dst]
    h = x @ W
    msgs = h[src] * norm[:, None]
    out = jnp.zeros((N, W.shape[1]), dtype=jnp.float32).at[dst].add(msgs)
    out = out + b
    return jax.nn.relu(out)

if __name__ == "__main__":
    import jax
    _d = setup_inputs()
    print(jax.jit(kernel)(*tuple(_d.values())))

</pallas_src>

<mosaic_0001>
#map = affine_map<(d0, d1) -> (0)>
module attributes {stable_mosaic.version = 14 : i64} {
  func.func @_deg_body(%arg0: i32, %arg1: i32, %arg2: memref<160000xi32, #tpu.memory_space<hbm>>, %arg3: memref<20480xf32, #tpu.memory_space<hbm>>, %arg4: memref<10240xf32, #tpu.memory_space<vmem_shared>>, %arg5: memref<128xi32, #tpu.memory_space<vmem>>, %arg6: memref<128xf32, #tpu.memory_space<vmem>>, %arg7: memref<640xf32, #tpu.memory_space<vmem>>) attributes {dimension_semantics = [#tpu.dimension_semantics<core_parallel>, #tpu.dimension_semantics<subcore_parallel>], iteration_bounds = array<i64: 2, 16>, scalar_prefetch = 0 : i64, scratch_operands = 4 : i64, tpu.core_type = #tpu.core_type<sc_vector_subcore>, window_params = [{transform_indices = #map}, {transform_indices = #map}]} {
    %broadcast_in_dim3A = arith.constant 1.000000e+00 : f32
    %broadcast_in_dim3A_0 = vector.broadcast %broadcast_in_dim3A : f32 to vector<16xf32>
    %broadcast_in_dim3A_1 = arith.constant 0.000000e+00 : f32
    %broadcast_in_dim3A_2 = vector.broadcast %broadcast_in_dim3A_1 : f32 to vector<16xf32>
    %scan3A = arith.constant 0 : i32
    %scan3A_3 = arith.constant 8 : i32
    %scan3A_4 = arith.addi %scan3A, %scan3A_3 : i32
    %scan3A_5 = arith.constant 1 : i32
    scf.for %scan3A_30 = %scan3A to %scan3A_4 step %scan3A_5  : i32 {
      %mul3A_31 = arith.constant 1 : i32
      %mul3A_32 = arith.muli %scan3A_30, %mul3A_31 : i32
      %add3A_33 = arith.constant 0 : i32
      %add3A_34 = arith.addi %add3A_33, %mul3A_32 : i32
      %mul3A_35 = arith.constant 16 : i32
      %mul3A_36 = arith.muli %add3A_34, %mul3A_35 : i32
      %swap3A = arith.index_cast %mul3A_36 : i32 to index
      %swap3A_37 = tpu.vector_load %arg6[%swap3A] {strides = array<i32>} : memref<128xf32, #tpu.memory_space<vmem>>, vector<16xf32>,
      %swap3A_38 = vector.shape_cast %swap3A_37 : vector<16xf32> to vector<16xf32>
      %swap3A_39 = vector.shape_cast %broadcast_in_dim3A_0 : vector<16xf32> to vector<16xf32>
      tpu.vector_store %arg6[%swap3A], %swap3A_39 {strides = array<i32>} : memref<128xf32, #tpu.memory_space<vmem>>, vector<16xf32>,
    }
    %scan3A_6 = arith.constant 8 : i32
    %scan3A_7 = arith.constant 0 : i32
    %scan3A_8 = arith.constant 40 : i32
    %scan3A_9 = arith.addi %scan3A_7, %scan3A_8 : i32
    %scan3A_10 = arith.constant 1 : i32
    scf.for %scan3A_30 = %scan3A_7 to %scan3A_9 step %scan3A_10  : i32 {
      %mul3A_31 = arith.constant 1 : i32
      %mul3A_32 = arith.muli %scan3A_30, %mul3A_31 : i32
      %add3A_33 = arith.constant 0 : i32
      %add3A_34 = arith.addi %add3A_33, %mul3A_32 : i32
      %mul3A_35 = arith.constant 16 : i32
      %mul3A_36 = arith.muli %add3A_34, %mul3A_35 : i32
      %swap3A = arith.index_cast %mul3A_36 : i32 to index
      %swap3A_37 = tpu.vector_load %arg7[%swap3A] {strides = array<i32>} : memref<640xf32, #tpu.memory_space<vmem>>, vector<16xf32>,
      %swap3A_38 = vector.shape_cast %swap3A_37 : vector<16xf32> to vector<16xf32>
      %swap3A_39 = vector.shape_cast %broadcast_in_dim3A_2 : vector<16xf32> to vector<16xf32>
      tpu.vector_store %arg7[%swap3A], %swap3A_39 {strides = array<i32>} : memref<640xf32, #tpu.memory_space<vmem>>, vector<16xf32>,
    }
    %scan3A_11 = arith.constant 40 : i32
    %mul3A = arith.constant 640 : i32
    %mul3A_12 = arith.muli %arg1, %mul3A : i32
    "tpu.region"() ({
      %run_scoped3A = tpu.sem_alloc : memref<!tpu.dma_semaphore, #tpu.memory_space<semaphore_mem>>
      %dma_start3A = tpu.memref_slice %arg4[%mul3A_12] : memref<10240xf32, #tpu.memory_space<vmem_shared>> -> memref<640xf32, #tpu.memory_space<vmem_shared>>
      %dma_start3A_30 = tpu.memref_slice %arg4[%mul3A_12] : memref<10240xf32, #tpu.memory_space<vmem_shared>> -> memref<640xf32, #tpu.memory_space<vmem_shared>>
      tpu.enqueue_dma source(%arg7 : memref<640xf32, #tpu.memory_space<vmem>>) target(%dma_start3A_30 : memref<640xf32, #tpu.memory_space<vmem_shared>>) target_semaphore(%run_scoped3A : memref<!tpu.dma_semaphore, #tpu.memory_space<semaphore_mem>>)
      %dma_wait3A = tpu.memref_slice %arg4[%mul3A_12] : memref<10240xf32, #tpu.memory_space<vmem_shared>> -> memref<640xf32, #tpu.memory_space<vmem_shared>>
      %dma_wait3A_31 = tpu.memref_slice %arg4[%mul3A_12] : memref<10240xf32, #tpu.memory_space<vmem_shared>> -> memref<640xf32, #tpu.memory_space<vmem_shared>>
      tpu.wait_dma2 semaphore(%run_scoped3A : memref<!tpu.dma_semaphore, #tpu.memory_space<semaphore_mem>>) src(%arg7 : memref<640xf32, #tpu.memory_space<vmem>>) dst(%dma_wait3A_31 : memref<640xf32, #tpu.memory_space<vmem_shared>>)
      tpu.yield
    }) : () -> ()
    %barrier3A = arith.constant 0 : index
    tpu.barrier barrier_id(%barrier3A)
    %mul3A_13 = arith.constant 16 : i32
    %mul3A_14 = arith.muli %arg0, %mul3A_13 : i32
    %add3A = arith.addi %mul3A_14, %arg1 : i32
    %mul3A_15 = arith.constant 4992 : i32
    %mul3A_16 = arith.muli %add3A, %mul3A_15 : i32
    %scan3A_17 = arith.constant 0 : i32
    %scan3A_18 = arith.constant 39 : i32
    %scan3A_19 = arith.addi %scan3A_17, %scan3A_18 : i32
    %scan3A_20 = arith.constant 1 : i32
    scf.for %scan3A_30 = %scan3A_17 to %scan3A_19 step %scan3A_20  : i32 {
      %mul3A_31 = arith.constant 1 : i32
      %mul3A_32 = arith.muli %scan3A_30, %mul3A_31 : i32
      %add3A_33 = arith.constant 0 : i32
      %add3A_34 = arith.addi %add3A_33, %mul3A_32 : i32
      %mul3A_35 = arith.constant 128 : i32
      %mul3A_36 = arith.muli %add3A_34, %mul3A_35 : i32
      %add3A_37 = arith.addi %mul3A_16, %mul3A_36 : i32
      "tpu.region"() ({
        %run_scoped3A = tpu.sem_alloc : memref<!tpu.dma_semaphore, #tpu.memory_space<semaphore_mem>>
        %dma_start3A = tpu.memref_slice %arg2[%add3A_37] : memref<160000xi32, #tpu.memory_space<hbm>> -> memref<128xi32, #tpu.memory_space<hbm>>
        %dma_start3A_38 = tpu.memref_slice %arg2[%add3A_37] : memref<160000xi32, #tpu.memory_space<hbm>> -> memref<128xi32, #tpu.memory_space<hbm>>
        tpu.enqueue_dma source(%dma_start3A_38 : memref<128xi32, #tpu.memory_space<hbm>>) target(%arg5 : memref<128xi32, #tpu.memory_space<vmem>>) target_semaphore(%run_scoped3A : memref<!tpu.dma_semaphore, #tpu.memory_space<semaphore_mem>>)
        %dma_wait3A = tpu.memref_slice %arg2[%add3A_37] : memref<160000xi32, #tpu.memory_space<hbm>> -> memref<128xi32, #tpu.memory_space<hbm>>
        %dma_wait3A_39 = tpu.memref_slice %arg2[%add3A_37] : memref<160000xi32, #tpu.memory_space<hbm>> -> memref<128xi32, #tpu.memory_space<hbm>>
        tpu.wait_dma2 semaphore(%run_scoped3A : memref<!tpu.dma_semaphore, #tpu.memory_space<semaphore_mem>>) src(%dma_wait3A_39 : memref<128xi32, #tpu.memory_space<hbm>>) dst(%arg5 : memref<128xi32, #tpu.memory_space<vmem>>)
        tpu.yield
      }) : () -> ()
      "tpu.region"() ({
        %run_scoped3A = tpu.sem_alloc : memref<!tpu.dma_semaphore, #tpu.memory_space<semaphore_mem>>
        %dma_start3A = arith.constant 0 : i32
        %dma_start3A_38 = tpu.memref_slice %arg4[%dma_start3A] : memref<10240xf32, #tpu.memory_space<vmem_shared>> -> memref<10240xf32, #tpu.memory_space<vmem_shared>>
        tpu.enqueue_indirect_dma source(%arg6 : memref<128xf32, #tpu.memory_space<vmem>>) target(%dma_start3A_38 : memref<10240xf32, #tpu.memory_space<vmem_shared>>) offsets(%arg5 : memref<128xi32, #tpu.memory_space<vmem>>) semaphore(%run_scoped3A : memref<!tpu.dma_semaphore, #tpu.memory_space<semaphore_mem>>) {add = true}
        %dma_wait3A = arith.constant 0 : i32
        %dma_wait3A_39 = tpu.memref_slice %arg4[%dma_wait3A] : memref<10240xf32, #tpu.memory_space<vmem_shared>> -> memref<10240xf32, #tpu.memory_space<vmem_shared>>
        tpu.wait_indirect_dma semaphore(%run_scoped3A : memref<!tpu.dma_semaphore, #tpu.memory_space<semaphore_mem>>) src(%arg6 : memref<128xf32, #tpu.memory_space<vmem>>) dst(%dma_wait3A_39 : memref<10240xf32, #tpu.memory_space<vmem_shared>>)
        tpu.yield
      }) : () -> ()
    }
    %scan3A_21 = arith.constant 39 : i32
    %eq3A = arith.constant 0 : i32
    %eq3A_22 = arith.cmpi eq, %arg0, %eq3A : i32
    %eq3A_23 = arith.constant 0 : i32
    %eq3A_24 = arith.cmpi eq, %arg1, %eq3A_23 : i32
    %and3A = arith.andi %eq3A_22, %eq3A_24 : i1
    %convert_element_type3A = arith.extui %and3A : i1 to i32
    %cond3A = arith.constant 0 : i32
    %cond3A_25 = arith.cmpi ne, %convert_element_type3A, %cond3A : i32
    scf.if %cond3A_25 {
      %scan3A_30 = arith.constant 0 : i32
      %scan3A_31 = arith.constant 2 : i32
      %scan3A_32 = arith.addi %scan3A_30, %scan3A_31 : i32
      %scan3A_33 = arith.constant 1 : i32
      scf.for %scan3A_35 = %scan3A_30 to %scan3A_32 step %scan3A_33  : i32 {
        %mul3A_36 = arith.constant 1 : i32
        %mul3A_37 = arith.muli %scan3A_35, %mul3A_36 : i32
        %add3A_38 = arith.constant 0 : i32
        %add3A_39 = arith.addi %add3A_38, %mul3A_37 : i32
        %mul3A_40 = arith.constant 128 : i32
        %mul3A_41 = arith.muli %add3A_39, %mul3A_40 : i32
        %add3A_42 = arith.constant 159744 : i32
        %add3A_43 = arith.addi %add3A_42, %mul3A_41 : i32
        "tpu.region"() ({
          %run_scoped3A = tpu.sem_alloc : memref<!tpu.dma_semaphore, #tpu.memory_space<semaphore_mem>>
          %dma_start3A = tpu.memref_slice %arg2[%add3A_43] : memref<160000xi32, #tpu.memory_space<hbm>> -> memref<128xi32, #tpu.memory_space<hbm>>
          %dma_start3A_44 = tpu.memref_slice %arg2[%add3A_43] : memref<160000xi32, #tpu.memory_space<hbm>> -> memref<128xi32, #tpu.memory_space<hbm>>
          tpu.enqueue_dma source(%dma_start3A_44 : memref<128xi32, #tpu.memory_space<hbm>>) target(%arg5 : memref<128xi32, #tpu.memory_space<vmem>>) target_semaphore(%run_scoped3A : memref<!tpu.dma_semaphore, #tpu.memory_space<semaphore_mem>>)
          %dma_wait3A = tpu.memref_slice %arg2[%add3A_43] : memref<160000xi32, #tpu.memory_space<hbm>> -> memref<128xi32, #tpu.memory_space<hbm>>
          %dma_wait3A_45 = tpu.memref_slice %arg2[%add3A_43] : memref<160000xi32, #tpu.memory_space<hbm>> -> memref<128xi32, #tpu.memory_space<hbm>>
          tpu.wait_dma2 semaphore(%run_scoped3A : memref<!tpu.dma_semaphore, #tpu.memory_space<semaphore_mem>>) src(%dma_wait3A_45 : memref<128xi32, #tpu.memory_space<hbm>>) dst(%arg5 : memref<128xi32, #tpu.memory_space<vmem>>)
          tpu.yield
        }) : () -> ()
        "tpu.region"() ({
          %run_scoped3A = tpu.sem_alloc : memref<!tpu.dma_semaphore, #tpu.memory_space<semaphore_mem>>
          %dma_start3A = arith.constant 0 : i32
          %dma_start3A_44 = tpu.memref_slice %arg4[%dma_start3A] : memref<10240xf32, #tpu.memory_space<vmem_shared>> -> memref<10240xf32, #tpu.memory_space<vmem_shared>>
          tpu.enqueue_indirect_dma source(%arg6 : memref<128xf32, #tpu.memory_space<vmem>>) target(%dma_start3A_44 : memref<10240xf32, #tpu.memory_space<vmem_shared>>) offsets(%arg5 : memref<128xi32, #tpu.memory_space<vmem>>) semaphore(%run_scoped3A : memref<!tpu.dma_semaphore, #tpu.memory_space<semaphore_mem>>) {add = true}
          %dma_wait3A = arith.constant 0 : i32
          %dma_wait3A_45 = tpu.memref_slice %arg4[%dma_wait3A] : memref<10240xf32, #tpu.memory_space<vmem_shared>> -> memref<10240xf32, #tpu.memory_space<vmem_shared>>
          tpu.wait_indirect_dma semaphore(%run_scoped3A : memref<!tpu.dma_semaphore, #tpu.memory_space<semaphore_mem>>) src(%arg6 : memref<128xf32, #tpu.memory_space<vmem>>) dst(%dma_wait3A_45 : memref<10240xf32, #tpu.memory_space<vmem_shared>>)
          tpu.yield
        }) : () -> ()
      }
      %scan3A_34 = arith.constant 2 : i32
    } else {
    }
    %barrier3A_26 = arith.constant 0 : index
    tpu.barrier barrier_id(%barrier3A_26)
    %mul3A_27 = arith.constant 10240 : i32
    %mul3A_28 = arith.muli %arg0, %mul3A_27 : i32
    %add3A_29 = arith.addi %mul3A_28, %mul3A_12 : i32
    "tpu.region"() ({
      %run_scoped3A = tpu.sem_alloc : memref<!tpu.dma_semaphore, #tpu.memory_space<semaphore_mem>>
      %dma_start3A = tpu.memref_slice %arg3[%add3A_29] : memref<20480xf32, #tpu.memory_space<hbm>> -> memref<640xf32, #tpu.memory_space<hbm>>
      %dma_start3A_30 = tpu.memref_slice %arg4[%mul3A_12] : memref<10240xf32, #tpu.memory_space<vmem_shared>> -> memref<640xf32, #tpu.memory_space<vmem_shared>>
      tpu.enqueue_dma source(%dma_start3A_30 : memref<640xf32, #tpu.memory_space<vmem_shared>>) target(%dma_start3A : memref<640xf32, #tpu.memory_space<hbm>>) target_semaphore(%run_scoped3A : memref<!tpu.dma_semaphore, #tpu.memory_space<semaphore_mem>>)
      %dma_wait3A = tpu.memref_slice %arg3[%add3A_29] : memref<20480xf32, #tpu.memory_space<hbm>> -> memref<640xf32, #tpu.memory_space<hbm>>
      %dma_wait3A_31 = tpu.memref_slice %arg4[%mul3A_12] : memref<10240xf32, #tpu.memory_space<vmem_shared>> -> memref<640xf32, #tpu.memory_space<vmem_shared>>
      tpu.wait_dma2 semaphore(%run_scoped3A : memref<!tpu.dma_semaphore, #tpu.memory_space<semaphore_mem>>) src(%dma_wait3A_31 : memref<640xf32, #tpu.memory_space<vmem_shared>>) dst(%dma_wait3A : memref<640xf32, #tpu.memory_space<hbm>>)
      tpu.yield
    }) : () -> ()
    return
  }
}

#map = affine_map<(d0, d1) -> (0)>
#map1 = affine_map<(d0, d1) -> (0, 0)>
module attributes {stable_mosaic.version = 14 : i64} {
  func.func @_agg_body(%arg0: i32, %arg1: i32, %arg2: memref<320000xi32, #tpu.memory_space<hbm>>, %arg3: memref<160000xi32, #tpu.memory_space<hbm>>, %arg4: memref<20000x128xf32, #tpu.memory_space<hbm>>, %arg5: memref<10000x128xf32, #tpu.memory_space<hbm>>, %arg6: memref<20000x128xf32, #tpu.memory_space<hbm>>, %arg7: memref<10000x128xf32, #tpu.memory_space<vmem_shared>>, %arg8: memref<128xi32, #tpu.memory_space<vmem>>, %arg9: memref<128xi32, #tpu.memory_space<vmem>>, %arg10: memref<128xi32, #tpu.memory_space<vmem>>, %arg11: memref<128xi32, #tpu.memory_space<vmem>>, %arg12: memref<128x128xf32, #tpu.memory_space<vmem>>, %arg13: memref<128x128xf32, #tpu.memory_space<vmem>>, %arg14: memref<!tpu.dma_semaphore, #tpu.memory_space<semaphore_mem>>, %arg15: memref<!tpu.dma_semaphore, #tpu.memory_space<semaphore_mem>>, %arg16: memref<!tpu.dma_semaphore, #tpu.memory_space<semaphore_mem>>, %arg17: memref<!tpu.dma_semaphore, #tpu.memory_space<semaphore_mem>>) attributes {dimension_semantics = [#tpu.dimension_semantics<core_parallel>, #tpu.dimension_semantics<subcore_parallel>], iteration_bounds = array<i64: 2, 16>, scalar_prefetch = 0 : i64, scratch_operands = 11 : i64, tpu.core_type = #tpu.core_type<sc_vector_subcore>, window_params = [{transform_indices = #map}, {transform_indices = #map}, {transform_indices = #map1}, {transform_indices = #map1}, {transform_indices = #map1}]} {
    %mul3A = arith.constant 624 : i32
    %mul3A_0 = arith.muli %arg1, %mul3A : i32
    "tpu.region"() ({
      %run_scoped3A = tpu.sem_alloc : memref<!tpu.dma_semaphore, #tpu.memory_space<semaphore_mem>>
      %dma_start3A_37 = arith.constant 0 : i32
      %dma_start3A_38 = tpu.memref_slice %arg7[%mul3A_0, %dma_start3A_37] : memref<10000x128xf32, #tpu.memory_space<vmem_shared>> -> memref<624x128xf32, #tpu.memory_space<vmem_shared>>
      %dma_start3A_39 = arith.constant 0 : i32
      %dma_start3A_40 = tpu.memref_slice %arg5[%mul3A_0, %dma_start3A_39] : memref<10000x128xf32, #tpu.memory_space<hbm>> -> memref<624x128xf32, #tpu.memory_space<hbm>>
      tpu.enqueue_dma source(%dma_start3A_40 : memref<624x128xf32, #tpu.memory_space<hbm>>) target(%dma_start3A_38 : memref<624x128xf32, #tpu.memory_space<vmem_shared>>) target_semaphore(%run_scoped3A : memref<!tpu.dma_semaphore, #tpu.memory_space<semaphore_mem>>)
      %dma_wait3A_41 = arith.constant 0 : i32
      %dma_wait3A_42 = tpu.memref_slice %arg7[%mul3A_0, %dma_wait3A_41] : memref<10000x128xf32, #tpu.memory_space<vmem_shared>> -> memref<624x128xf32, #tpu.memory_space<vmem_shared>>
      %dma_wait3A_43 = arith.constant 0 : i32
      %dma_wait3A_44 = tpu.memref_slice %arg5[%mul3A_0, %dma_wait3A_43] : memref<10000x128xf32, #tpu.memory_space<hbm>> -> memref<624x128xf32, #tpu.memory_space<hbm>>
      tpu.wait_dma2 semaphore(%run_scoped3A : memref<!tpu.dma_semaphore, #tpu.memory_space<semaphore_mem>>) src(%dma_wait3A_44 : memref<624x128xf32, #tpu.memory_space<hbm>>) dst(%dma_wait3A_42 : memref<624x128xf32, #tpu.memory_space<vmem_shared>>)
      tpu.yield
    }) : () -> ()
    %eq3A = arith.constant 0 : i32
    %eq3A_1 = arith.cmpi eq, %arg1, %eq3A : i32
    %convert_element_type3A = arith.extui %eq3A_1 : i1 to i32
    %cond3A = arith.constant 0 : i32
    %cond3A_2 = arith.cmpi ne, %convert_element_type3A, %cond3A : i32
    scf.if %cond3A_2 {
      "tpu.region"() ({
        %run_scoped3A = tpu.sem_alloc : memref<!tpu.dma_semaphore, #tpu.memory_space<semaphore_mem>>
        %dma_start3A_37 = arith.constant 9984 : i32
        %dma_start3A_38 = arith.constant 0 : i32
        %dma_start3A_39 = tpu.memref_slice %arg7[%dma_start3A_37, %dma_start3A_38] : memref<10000x128xf32, #tpu.memory_space<vmem_shared>> -> memref<16x128xf32, #tpu.memory_space<vmem_shared>>
        %dma_start3A_40 = arith.constant 9984 : i32
        %dma_start3A_41 = arith.constant 0 : i32
        %dma_start3A_42 = tpu.memref_slice %arg5[%dma_start3A_40, %dma_start3A_41] : memref<10000x128xf32, #tpu.memory_space<hbm>> -> memref<16x128xf32, #tpu.memory_space<hbm>>
        tpu.enqueue_dma source(%dma_start3A_42 : memref<16x128xf32, #tpu.memory_space<hbm>>) target(%dma_start3A_39 : memref<16x128xf32, #tpu.memory_space<vmem_shared>>) target_semaphore(%run_scoped3A : memref<!tpu.dma_semaphore, #tpu.memory_space<semaphore_mem>>)
        %dma_wait3A_43 = arith.constant 9984 : i32
        %dma_wait3A_44 = arith.constant 0 : i32
        %dma_wait3A_45 = tpu.memref_slice %arg7[%dma_wait3A_43, %dma_wait3A_44] : memref<10000x128xf32, #tpu.memory_space<vmem_shared>> -> memref<16x128xf32, #tpu.memory_space<vmem_shared>>
        %dma_wait3A_46 = arith.constant 9984 : i32
        %dma_wait3A_47 = arith.constant 0 : i32
        %dma_wait3A_48 = tpu.memref_slice %arg5[%dma_wait3A_46, %dma_wait3A_47] : memref<10000x128xf32, #tpu.memory_space<hbm>> -> memref<16x128xf32, #tpu.memory_space<hbm>>
        tpu.wait_dma2 semaphore(%run_scoped3A : memref<!tpu.dma_semaphore, #tpu.memory_space<semaphore_mem>>) src(%dma_wait3A_48 : memref<16x128xf32, #tpu.memory_space<hbm>>) dst(%dma_wait3A_45 : memref<16x128xf32, #tpu.memory_space<vmem_shared>>)
        tpu.yield
      }) : () -> ()
    } else {
    }
    %barrier3A = arith.constant 0 : index
    tpu.barrier barrier_id(%barrier3A)
    %mul3A_3 = arith.constant 9984 : i32
    %mul3A_4 = arith.muli %arg1, %mul3A_3 : i32
    %mul3A_5 = arith.constant 160000 : i32
    %mul3A_6 = arith.muli %arg0, %mul3A_5 : i32
    %add3A = arith.addi %mul3A_6, %mul3A_4 : i32
    "tpu.region"() ({
      %run_scoped3A = tpu.sem_alloc : memref<!tpu.dma_semaphore, #tpu.memory_space<semaphore_mem>>
      %dma_start3A_37 = tpu.memref_slice %arg2[%add3A] : memref<320000xi32, #tpu.memory_space<hbm>> -> memref<128xi32, #tpu.memory_space<hbm>>
      %dma_start3A_38 = tpu.memref_slice %arg2[%add3A] : memref<320000xi32, #tpu.memory_space<hbm>> -> memref<128xi32, #tpu.memory_space<hbm>>
      tpu.enqueue_dma source(%dma_start3A_38 : memref<128xi32, #tpu.memory_space<hbm>>) target(%arg8 : memref<128xi32, #tpu.memory_space<vmem>>) target_semaphore(%run_scoped3A : memref<!tpu.dma_semaphore, #tpu.memory_space<semaphore_mem>>)
      %dma_wait3A_39 = tpu.memref_slice %arg2[%add3A] : memref<320000xi32, #tpu.memory_space<hbm>> -> memref<128xi32, #tpu.memory_space<hbm>>
      %dma_wait3A_40 = tpu.memref_slice %arg2[%add3A] : memref<320000xi32, #tpu.memory_space<hbm>> -> memref<128xi32, #tpu.memory_space<hbm>>
      tpu.wait_dma2 semaphore(%run_scoped3A : memref<!tpu.dma_semaphore, #tpu.memory_space<semaphore_mem>>) src(%dma_wait3A_40 : memref<128xi32, #tpu.memory_space<hbm>>) dst(%arg8 : memref<128xi32, #tpu.memory_space<vmem>>)
      tpu.yield
    }) : () -> ()
    "tpu.region"() ({
      %run_scoped3A = tpu.sem_alloc : memref<!tpu.dma_semaphore, #tpu.memory_space<semaphore_mem>>
      %dma_start3A_37 = tpu.memref_slice %arg3[%mul3A_4] : memref<160000xi32, #tpu.memory_space<hbm>> -> memref<128xi32, #tpu.memory_space<hbm>>
      %dma_start3A_38 = tpu.memref_slice %arg3[%mul3A_4] : memref<160000xi32, #tpu.memory_space<hbm>> -> memref<128xi32, #tpu.memory_space<hbm>>
      tpu.enqueue_dma source(%dma_start3A_38 : memref<128xi32, #tpu.memory_space<hbm>>) target(%arg10 : memref<128xi32, #tpu.memory_space<vmem>>) target_semaphore(%run_scoped3A : memref<!tpu.dma_semaphore, #tpu.memory_space<semaphore_mem>>)
      %dma_wait3A_39 = tpu.memref_slice %arg3[%mul3A_4] : memref<160000xi32, #tpu.memory_space<hbm>> -> memref<128xi32, #tpu.memory_space<hbm>>
      %dma_wait3A_40 = tpu.memref_slice %arg3[%mul3A_4] : memref<160000xi32, #tpu.memory_space<hbm>> -> memref<128xi32, #tpu.memory_space<hbm>>
      tpu.wait_dma2 semaphore(%run_scoped3A : memref<!tpu.dma_semaphore, #tpu.memory_space<semaphore_mem>>) src(%dma_wait3A_40 : memref<128xi32, #tpu.memory_space<hbm>>) dst(%arg10 : memref<128xi32, #tpu.memory_space<vmem>>)
      tpu.yield
    }) : () -> ()
    %dma_start3A = arith.constant 0 : i32
    %dma_start3A_7 = arith.constant 0 : i32
    %dma_start3A_8 = tpu.memref_slice %arg4[%dma_start3A, %dma_start3A_7] : memref<20000x128xf32, #tpu.memory_space<hbm>> -> memref<20000x128xf32, #tpu.memory_space<hbm>>
    tpu.enqueue_indirect_dma source(%dma_start3A_8 : memref<20000x128xf32, #tpu.memory_space<hbm>>) target(%arg12 : memref<128x128xf32, #tpu.memory_space<vmem>>) offsets(%arg8 : memref<128xi32, #tpu.memory_space<vmem>>) semaphore(%arg14 : memref<!tpu.dma_semaphore, #tpu.memory_space<semaphore_mem>>)
    %scan3A = arith.constant 0 : i32
    %scan3A_9 = arith.constant 39 : i32
    %scan3A_10 = arith.addi %scan3A, %scan3A_9 : i32
    %scan3A_11 = arith.constant 1 : i32
    scf.for %scan3A_37 = %scan3A to %scan3A_10 step %scan3A_11  : i32 {
      %mul3A_38 = arith.constant 1 : i32
      %mul3A_39 = arith.muli %scan3A_37, %mul3A_38 : i32
      %add3A_40 = arith.constant 0 : i32
      %add3A_41 = arith.addi %add3A_40, %mul3A_39 : i32
      %mul3A_42 = arith.constant 2 : i32
      %mul3A_43 = arith.muli %mul3A_42, %add3A_41 : i32
      %add3A_44 = arith.constant 0 : i32
      %add3A_45 = arith.addi %mul3A_43, %add3A_44 : i32
      %add3A_46 = arith.constant 1 : i32
      %add3A_47 = arith.addi %add3A_45, %add3A_46 : i32
      %lt3A_48 = arith.constant 78 : i32
      %lt3A_49 = arith.cmpi slt, %add3A_47, %lt3A_48 : i32
      %convert_element_type3A_50 = arith.extui %lt3A_49 : i1 to i32
      %cond3A_51 = arith.constant 0 : i32
      %cond3A_52 = arith.cmpi ne, %convert_element_type3A_50, %cond3A_51 : i32
      scf.if %cond3A_52 {
        %ge3A = arith.constant 1 : i32
        %ge3A_76 = arith.cmpi sge, %add3A_45, %ge3A : i32
        %convert_element_type3A_77 = arith.extui %ge3A_76 : i1 to i32
        %cond3A_78 = arith.constant 0 : i32
        %cond3A_79 = arith.cmpi ne, %convert_element_type3A_77, %cond3A_78 : i32
        scf.if %cond3A_79 {
          %dma_wait3A_89 = arith.constant 0 : i32
          %dma_wait3A_90 = arith.constant 0 : i32
          %dma_wait3A_91 = tpu.memref_slice %arg7[%dma_wait3A_89, %dma_wait3A_90] : memref<10000x128xf32, #tpu.memory_space<vmem_shared>> -> memref<10000x128xf32, #tpu.memory_space<vmem_shared>>
          tpu.wait_indirect_dma semaphore(%arg17 : memref<!tpu.dma_semaphore, #tpu.memory_space<semaphore_mem>>) src(%arg13 : memref<128x128xf32, #tpu.memory_space<vmem>>) dst(%dma_wait3A_91 : memref<10000x128xf32, #tpu.memory_space<vmem_shared>>)
        } else {
        }
        %mul3A_80 = arith.constant 128 : i32
        %mul3A_81 = arith.muli %add3A_47, %mul3A_80 : i32
        %add3A_82 = arith.addi %add3A, %mul3A_81 : i32
        "tpu.region"() ({
          %run_scoped3A = tpu.sem_alloc : memref<!tpu.dma_semaphore, #tpu.memory_space<semaphore_mem>>
          %dma_start3A_89 = tpu.memref_slice %arg2[%add3A_82] : memref<320000xi32, #tpu.memory_space<hbm>> -> memref<128xi32, #tpu.memory_space<hbm>>
          %dma_start3A_90 = tpu.memref_slice %arg2[%add3A_82] : memref<320000xi32, #tpu.memory_space<hbm>> -> memref<128xi32, #tpu.memory_space<hbm>>
          tpu.enqueue_dma source(%dma_start3A_90 : memref<128xi32, #tpu.memory_space<hbm>>) target(%arg9 : memref<128xi32, #tpu.memory_space<vmem>>) target_semaphore(%run_scoped3A : memref<!tpu.dma_semaphore, #tpu.memory_space<semaphore_mem>>)
          %dma_wait3A_91 = tpu.memref_slice %arg2[%add3A_82] : memref<320000xi32, #tpu.memory_space<hbm>> -> memref<128xi32, #tpu.memory_space<hbm>>
          %dma_wait3A_92 = tpu.memref_slice %arg2[%add3A_82] : memref<320000xi32, #tpu.memory_space<hbm>> -> memref<128xi32, #tpu.memory_space<hbm>>
          tpu.wait_dma2 semaphore(%run_scoped3A : memref<!tpu.dma_semaphore, #tpu.memory_space<semaphore_mem>>) src(%dma_wait3A_92 : memref<128xi32, #tpu.memory_space<hbm>>) dst(%arg9 : memref<128xi32, #tpu.memory_space<vmem>>)
          tpu.yield
        }) : () -> ()
        %mul3A_83 = arith.constant 128 : i32
        %mul3A_84 = arith.muli %add3A_47, %mul3A_83 : i32
        %add3A_85 = arith.addi %mul3A_4, %mul3A_84 : i32
        "tpu.region"() ({
          %run_scoped3A = tpu.sem_alloc : memref<!tpu.dma_semaphore, #tpu.memory_space<semaphore_mem>>
          %dma_start3A_89 = tpu.memref_slice %arg3[%add3A_85] : memref<160000xi32, #tpu.memory_space<hbm>> -> memref<128xi32, #tpu.memory_space<hbm>>
          %dma_start3A_90 = tpu.memref_slice %arg3[%add3A_85] : memref<160000xi32, #tpu.memory_space<hbm>> -> memref<128xi32, #tpu.memory_space<hbm>>
          tpu.enqueue_dma source(%dma_start3A_90 : memref<128xi32, #tpu.memory_space<hbm>>) target(%arg11 : memref<128xi32, #tpu.memory_space<vmem>>) target_semaphore(%run_scoped3A : memref<!tpu.dma_semaphore, #tpu.memory_space<semaphore_mem>>)
          %dma_wait3A_91 = tpu.memref_slice %arg3[%add3A_85] : memref<160000xi32, #tpu.memory_space<hbm>> -> memref<128xi32, #tpu.memory_space<hbm>>
          %dma_wait3A_92 = tpu.memref_slice %arg3[%add3A_85] : memref<160000xi32, #tpu.memory_space<hbm>> -> memref<128xi32, #tpu.memory_space<hbm>>
          tpu.wait_dma2 semaphore(%run_scoped3A : memref<!tpu.dma_semaphore, #tpu.memory_space<semaphore_mem>>) src(%dma_wait3A_92 : memref<128xi32, #tpu.memory_space<hbm>>) dst(%arg11 : memref<128xi32, #tpu.memory_space<vmem>>)
          tpu.yield
        }) : () -> ()
        %dma_start3A_86 = arith.constant 0 : i32
        %dma_start3A_87 = arith.constant 0 : i32
        %dma_start3A_88 = tpu.memref_slice %arg4[%dma_start3A_86, %dma_start3A_87] : memref<20000x128xf32, #tpu.memory_space<hbm>> -> memref<20000x128xf32, #tpu.memory_space<hbm>>
        tpu.enqueue_indirect_dma source(%dma_start3A_88 : memref<20000x128xf32, #tpu.memory_space<hbm>>) target(%arg13 : memref<128x128xf32, #tpu.memory_space<vmem>>) offsets(%arg9 : memref<128xi32, #tpu.memory_space<vmem>>) semaphore(%arg15 : memref<!tpu.dma_semaphore, #tpu.memory_space<semaphore_mem>>)
      } else {
      }
      %dma_wait3A_53 = arith.constant 0 : i32
      %dma_wait3A_54 = arith.constant 0 : i32
      %dma_wait3A_55 = tpu.memref_slice %arg4[%dma_wait3A_53, %dma_wait3A_54] : memref<20000x128xf32, #tpu.memory_space<hbm>> -> memref<20000x128xf32, #tpu.memory_space<hbm>>
      tpu.wait_indirect_dma semaphore(%arg14 : memref<!tpu.dma_semaphore, #tpu.memory_space<semaphore_mem>>) src(%dma_wait3A_55 : memref<20000x128xf32, #tpu.memory_space<hbm>>) dst(%arg12 : memref<128x128xf32, #tpu.memory_space<vmem>>)
      %dma_start3A_56 = arith.constant 0 : i32
      %dma_start3A_57 = arith.constant 0 : i32
      %dma_start3A_58 = tpu.memref_slice %arg7[%dma_start3A_56, %dma_start3A_57] : memref<10000x128xf32, #tpu.memory_space<vmem_shared>> -> memref<10000x128xf32, #tpu.memory_space<vmem_shared>>
      tpu.enqueue_indirect_dma source(%arg12 : memref<128x128xf32, #tpu.memory_space<vmem>>) target(%dma_start3A_58 : memref<10000x128xf32, #tpu.memory_space<vmem_shared>>) offsets(%arg10 : memref<128xi32, #tpu.memory_space<vmem>>) semaphore(%arg16 : memref<!tpu.dma_semaphore, #tpu.memory_space<semaphore_mem>>) {add = true}
      %mul3A_59 = arith.constant 2 : i32
      %mul3A_60 = arith.muli %mul3A_59, %add3A_41 : i32
      %add3A_61 = arith.constant 1 : i32
      %add3A_62 = arith.addi %mul3A_60, %add3A_61 : i32
      %add3A_63 = arith.constant 1 : i32
      %add3A_64 = arith.addi %add3A_62, %add3A_63 : i32
      %lt3A_65 = arith.constant 78 : i32
      %lt3A_66 = arith.cmpi slt, %add3A_64, %lt3A_65 : i32
      %convert_element_type3A_67 = arith.extui %lt3A_66 : i1 to i32
      %cond3A_68 = arith.constant 0 : i32
      %cond3A_69 = arith.cmpi ne, %convert_element_type3A_67, %cond3A_68 : i32
      scf.if %cond3A_69 {
        %ge3A = arith.constant 1 : i32
        %ge3A_76 = arith.cmpi sge, %add3A_62, %ge3A : i32
        %convert_element_type3A_77 = arith.extui %ge3A_76 : i1 to i32
        %cond3A_78 = arith.constant 0 : i32
        %cond3A_79 = arith.cmpi ne, %convert_element_type3A_77, %cond3A_78 : i32
        scf.if %cond3A_79 {
          %dma_wait3A_89 = arith.constant 0 : i32
          %dma_wait3A_90 = arith.constant 0 : i32
          %dma_wait3A_91 = tpu.memref_slice %arg7[%dma_wait3A_89, %dma_wait3A_90] : memref<10000x128xf32, #tpu.memory_space<vmem_shared>> -> memref<10000x128xf32, #tpu.memory_space<vmem_shared>>
          tpu.wait_indirect_dma semaphore(%arg16 : memref<!tpu.dma_semaphore, #tpu.memory_space<semaphore_mem>>) src(%arg12 : memref<128x128xf32, #tpu.memory_space<vmem>>) dst(%dma_wait3A_91 : memref<10000x128xf32, #tpu.memory_space<vmem_shared>>)
        } else {
        }
        %mul3A_80 = arith.constant 128 : i32
        %mul3A_81 = arith.muli %add3A_64, %mul3A_80 : i32
        %add3A_82 = arith.addi %add3A, %mul3A_81 : i32
        "tpu.region"() ({
          %run_scoped3A = tpu.sem_alloc : memref<!tpu.dma_semaphore, #tpu.memory_space<semaphore_mem>>
          %dma_start3A_89 = tpu.memref_slice %arg2[%add3A_82] : memref<320000xi32, #tpu.memory_space<hbm>> -> memref<128xi32, #tpu.memory_space<hbm>>
          %dma_start3A_90 = tpu.memref_slice %arg2[%add3A_82] : memref<320000xi32, #tpu.memory_space<hbm>> -> memref<128xi32, #tpu.memory_space<hbm>>
          tpu.enqueue_dma source(%dma_start3A_90 : memref<128xi32, #tpu.memory_space<hbm>>) target(%arg8 : memref<128xi32, #tpu.memory_space<vmem>>) target_semaphore(%run_scoped3A : memref<!tpu.dma_semaphore, #tpu.memory_space<semaphore_mem>>)
          %dma_wait3A_91 = tpu.memref_slice %arg2[%add3A_82] : memref<320000xi32, #tpu.memory_space<hbm>> -> memref<128xi32, #tpu.memory_space<hbm>>
          %dma_wait3A_92 = tpu.memref_slice %arg2[%add3A_82] : memref<320000xi32, #tpu.memory_space<hbm>> -> memref<128xi32, #tpu.memory_space<hbm>>
          tpu.wait_dma2 semaphore(%run_scoped3A : memref<!tpu.dma_semaphore, #tpu.memory_space<semaphore_mem>>) src(%dma_wait3A_92 : memref<128xi32, #tpu.memory_space<hbm>>) dst(%arg8 : memref<128xi32, #tpu.memory_space<vmem>>)
          tpu.yield
        }) : () -> ()
        %mul3A_83 = arith.constant 128 : i32
        %mul3A_84 = arith.muli %add3A_64, %mul3A_83 : i32
        %add3A_85 = arith.addi %mul3A_4, %mul3A_84 : i32
        "tpu.region"() ({
          %run_scoped3A = tpu.sem_alloc : memref<!tpu.dma_semaphore, #tpu.memory_space<semaphore_mem>>
          %dma_start3A_89 = tpu.memref_slice %arg3[%add3A_85] : memref<160000xi32, #tpu.memory_space<hbm>> -> memref<128xi32, #tpu.memory_space<hbm>>
          %dma_start3A_90 = tpu.memref_slice %arg3[%add3A_85] : memref<160000xi32, #tpu.memory_space<hbm>> -> memref<128xi32, #tpu.memory_space<hbm>>
          tpu.enqueue_dma source(%dma_start3A_90 : memref<128xi32, #tpu.memory_space<hbm>>) target(%arg10 : memref<128xi32, #tpu.memory_space<vmem>>) target_semaphore(%run_scoped3A : memref<!tpu.dma_semaphore, #tpu.memory_space<semaphore_mem>>)
          %dma_wait3A_91 = tpu.memref_slice %arg3[%add3A_85] : memref<160000xi32, #tpu.memory_space<hbm>> -> memref<128xi32, #tpu.memory_space<hbm>>
          %dma_wait3A_92 = tpu.memref_slice %arg3[%add3A_85] : memref<160000xi32, #tpu.memory_space<hbm>> -> memref<128xi32, #tpu.memory_space<hbm>>
          tpu.wait_dma2 semaphore(%run_scoped3A : memref<!tpu.dma_semaphore, #tpu.memory_space<semaphore_mem>>) src(%dma_wait3A_92 : memref<128xi32, #tpu.memory_space<hbm>>) dst(%arg10 : memref<128xi32, #tpu.memory_space<vmem>>)
          tpu.yield
        }) : () -> ()
        %dma_start3A_86 = arith.constant 0 : i32
        %dma_start3A_87 = arith.constant 0 : i32
        %dma_start3A_88 = tpu.memref_slice %arg4[%dma_start3A_86, %dma_start3A_87] : memref<20000x128xf32, #tpu.memory_space<hbm>> -> memref<20000x128xf32, #tpu.memory_space<hbm>>
        tpu.enqueue_indirect_dma source(%dma_start3A_88 : memref<20000x128xf32, #tpu.memory_space<hbm>>) target(%arg12 : memref<128x128xf32, #tpu.memory_space<vmem>>) offsets(%arg8 : memref<128xi32, #tpu.memory_space<vmem>>) semaphore(%arg14 : memref<!tpu.dma_semaphore, #tpu.memory_space<semaphore_mem>>)
      } else {
      }
      %dma_wait3A_70 = arith.constant 0 : i32
      %dma_wait3A_71 = arith.constant 0 : i32
      %dma_wait3A_72 = tpu.memref_slice %arg4[%dma_wait3A_70, %dma_wait3A_71] : memref<20000x128xf32, #tpu.memory_space<hbm>> -> memref<20000x128xf32, #tpu.memory_space<hbm>>
      tpu.wait_indirect_dma semaphore(%arg15 : memref<!tpu.dma_semaphore, #tpu.memory_space<semaphore_mem>>) src(%dma_wait3A_72 : memref<20000x128xf32, #tpu.memory_space<hbm>>) dst(%arg13 : memref<128x128xf32, #tpu.memory_space<vmem>>)
      %dma_start3A_73 = arith.constant 0 : i32
      %dma_start3A_74 = arith.constant 0 : i32
      %dma_start3A_75 = tpu.memref_slice %arg7[%dma_start3A_73, %dma_start3A_74] : memref<10000x128xf32, #tpu.memory_space<vmem_shared>> -> memref<10000x128xf32, #tpu.memory_space<vmem_shared>>
      tpu.enqueue_indirect_dma source(%arg13 : memref<128x128xf32, #tpu.memory_space<vmem>>) target(%dma_start3A_75 : memref<10000x128xf32, #tpu.memory_space<vmem_shared>>) offsets(%arg11 : memref<128xi32, #tpu.memory_space<vmem>>) semaphore(%arg17 : memref<!tpu.dma_semaphore, #tpu.memory_space<semaphore_mem>>) {add = true}
    }
    %scan3A_12 = arith.constant 39 : i32
    %dma_wait3A = arith.constant 0 : i32
    %dma_wait3A_13 = arith.constant 0 : i32
    %dma_wait3A_14 = tpu.memref_slice %arg7[%dma_wait3A, %dma_wait3A_13] : memref<10000x128xf32, #tpu.memory_space<vmem_shared>> -> memref<10000x128xf32, #tpu.memory_space<vmem_shared>>
    tpu.wait_indirect_dma semaphore(%arg16 : memref<!tpu.dma_semaphore, #tpu.memory_space<semaphore_mem>>) src(%arg12 : memref<128x128xf32, #tpu.memory_space<vmem>>) dst(%dma_wait3A_14 : memref<10000x128xf32, #tpu.memory_space<vmem_shared>>)
    %dma_wait3A_15 = arith.constant 0 : i32
    %dma_wait3A_16 = arith.constant 0 : i32
    %dma_wait3A_17 = tpu.memref_slice %arg7[%dma_wait3A_15, %dma_wait3A_16] : memref<10000x128xf32, #tpu.memory_space<vmem_shared>> -> memref<10000x128xf32, #tpu.memory_space<vmem_shared>>
    tpu.wait_indirect_dma semaphore(%arg17 : memref<!tpu.dma_semaphore, #tpu.memory_space<semaphore_mem>>) src(%arg13 : memref<128x128xf32, #tpu.memory_space<vmem>>) dst(%dma_wait3A_17 : memref<10000x128xf32, #tpu.memory_space<vmem_shared>>)
    %eq3A_18 = arith.constant 0 : i32
    %eq3A_19 = arith.cmpi eq, %arg1, %eq3A_18 : i32
    %convert_element_type3A_20 = arith.extui %eq3A_19 : i1 to i32
    %cond3A_21 = arith.constant 0 : i32
    %cond3A_22 = arith.cmpi ne, %convert_element_type3A_20, %cond3A_21 : i32
    scf.if %cond3A_22 {
      %scan3A_37 = arith.constant 0 : i32
      %scan3A_38 = arith.constant 2 : i32
      %scan3A_39 = arith.addi %scan3A_37, %scan3A_38 : i32
      %scan3A_40 = arith.constant 1 : i32
      scf.for %scan3A_42 = %scan3A_37 to %scan3A_39 step %scan3A_40  : i32 {
        %mul3A_43 = arith.constant 1 : i32
        %mul3A_44 = arith.muli %scan3A_42, %mul3A_43 : i32
        %add3A_45 = arith.constant 0 : i32
        %add3A_46 = arith.addi %add3A_45, %mul3A_44 : i32
        %mul3A_47 = arith.constant 160000 : i32
        %mul3A_48 = arith.muli %arg0, %mul3A_47 : i32
        %add3A_49 = arith.constant 159744 : i32
        %add3A_50 = arith.addi %mul3A_48, %add3A_49 : i32
        %mul3A_51 = arith.constant 128 : i32
        %mul3A_52 = arith.muli %add3A_46, %mul3A_51 : i32
        %add3A_53 = arith.addi %add3A_50, %mul3A_52 : i32
        "tpu.region"() ({
          %run_scoped3A = tpu.sem_alloc : memref<!tpu.dma_semaphore, #tpu.memory_space<semaphore_mem>>
          %dma_start3A_64 = tpu.memref_slice %arg2[%add3A_53] : memref<320000xi32, #tpu.memory_space<hbm>> -> memref<128xi32, #tpu.memory_space<hbm>>
          %dma_start3A_65 = tpu.memref_slice %arg2[%add3A_53] : memref<320000xi32, #tpu.memory_space<hbm>> -> memref<128xi32, #tpu.memory_space<hbm>>
          tpu.enqueue_dma source(%dma_start3A_65 : memref<128xi32, #tpu.memory_space<hbm>>) target(%arg8 : memref<128xi32, #tpu.memory_space<vmem>>) target_semaphore(%run_scoped3A : memref<!tpu.dma_semaphore, #tpu.memory_space<semaphore_mem>>)
          %dma_wait3A_66 = tpu.memref_slice %arg2[%add3A_53] : memref<320000xi32, #tpu.memory_space<hbm>> -> memref<128xi32, #tpu.memory_space<hbm>>
          %dma_wait3A_67 = tpu.memref_slice %arg2[%add3A_53] : memref<320000xi32, #tpu.memory_space<hbm>> -> memref<128xi32, #tpu.memory_space<hbm>>
          tpu.wait_dma2 semaphore(%run_scoped3A : memref<!tpu.dma_semaphore, #tpu.memory_space<semaphore_mem>>) src(%dma_wait3A_67 : memref<128xi32, #tpu.memory_space<hbm>>) dst(%arg8 : memref<128xi32, #tpu.memory_space<vmem>>)
          tpu.yield
        }) : () -> ()
        %mul3A_54 = arith.constant 128 : i32
        %mul3A_55 = arith.muli %add3A_46, %mul3A_54 : i32
        %add3A_56 = arith.constant 159744 : i32
        %add3A_57 = arith.addi %add3A_56, %mul3A_55 : i32
        "tpu.region"() ({
          %run_scoped3A = tpu.sem_alloc : memref<!tpu.dma_semaphore, #tpu.memory_space<semaphore_mem>>
          %dma_start3A_64 = tpu.memref_slice %arg3[%add3A_57] : memref<160000xi32, #tpu.memory_space<hbm>> -> memref<128xi32, #tpu.memory_space<hbm>>
          %dma_start3A_65 = tpu.memref_slice %arg3[%add3A_57] : memref<160000xi32, #tpu.memory_space<hbm>> -> memref<128xi32, #tpu.memory_space<hbm>>
          tpu.enqueue_dma source(%dma_start3A_65 : memref<128xi32, #tpu.memory_space<hbm>>) target(%arg10 : memref<128xi32, #tpu.memory_space<vmem>>) target_semaphore(%run_scoped3A : memref<!tpu.dma_semaphore, #tpu.memory_space<semaphore_mem>>)
          %dma_wait3A_66 = tpu.memref_slice %arg3[%add3A_57] : memref<160000xi32, #tpu.memory_space<hbm>> -> memref<128xi32, #tpu.memory_space<hbm>>
          %dma_wait3A_67 = tpu.memref_slice %arg3[%add3A_57] : memref<160000xi32, #tpu.memory_space<hbm>> -> memref<128xi32, #tpu.memory_space<hbm>>
          tpu.wait_dma2 semaphore(%run_scoped3A : memref<!tpu.dma_semaphore, #tpu.memory_space<semaphore_mem>>) src(%dma_wait3A_67 : memref<128xi32, #tpu.memory_space<hbm>>) dst(%arg10 : memref<128xi32, #tpu.memory_space<vmem>>)
          tpu.yield
        }) : () -> ()
        %dma_start3A_58 = arith.constant 0 : i32
        %dma_start3A_59 = arith.constant 0 : i32
        %dma_start3A_60 = tpu.memref_slice %arg4[%dma_start3A_58, %dma_start3A_59] : memref<20000x128xf32, #tpu.memory_space<hbm>> -> memref<20000x128xf32, #tpu.memory_space<hbm>>
        tpu.enqueue_indirect_dma source(%dma_start3A_60 : memref<20000x128xf32, #tpu.memory_space<hbm>>) target(%arg12 : memref<128x128xf32, #tpu.memory_space<vmem>>) offsets(%arg8 : memref<128xi32, #tpu.memory_space<vmem>>) semaphore(%arg14 : memref<!tpu.dma_semaphore, #tpu.memory_space<semaphore_mem>>)
        %dma_wait3A_61 = arith.constant 0 : i32
        %dma_wait3A_62 = arith.constant 0 : i32
        %dma_wait3A_63 = tpu.memref_slice %arg4[%dma_wait3A_61, %dma_wait3A_62] : memref<20000x128xf32, #tpu.memory_space<hbm>> -> memref<20000x128xf32, #tpu.memory_space<hbm>>
        tpu.wait_indirect_dma semaphore(%arg14 : memref<!tpu.dma_semaphore, #tpu.memory_space<semaphore_mem>>) src(%dma_wait3A_63 : memref<20000x128xf32, #tpu.memory_space<hbm>>) dst(%arg12 : memref<128x128xf32, #tpu.memory_space<vmem>>)
        "tpu.region"() ({
          %run_scoped3A = tpu.sem_alloc : memref<!tpu.dma_semaphore, #tpu.memory_space<semaphore_mem>>
          %dma_start3A_64 = arith.constant 0 : i32
          %dma_start3A_65 = arith.constant 0 : i32
          %dma_start3A_66 = tpu.memref_slice %arg7[%dma_start3A_64, %dma_start3A_65] : memref<10000x128xf32, #tpu.memory_space<vmem_shared>> -> memref<10000x128xf32, #tpu.memory_space<vmem_shared>>
          tpu.enqueue_indirect_dma source(%arg12 : memref<128x128xf32, #tpu.memory_space<vmem>>) target(%dma_start3A_66 : memref<10000x128xf32, #tpu.memory_space<vmem_shared>>) offsets(%arg10 : memref<128xi32, #tpu.memory_space<vmem>>) semaphore(%run_scoped3A : memref<!tpu.dma_semaphore, #tpu.memory_space<semaphore_mem>>) {add = true}
          %dma_wait3A_67 = arith.constant 0 : i32
          %dma_wait3A_68 = arith.constant 0 : i32
          %dma_wait3A_69 = tpu.memref_slice %arg7[%dma_wait3A_67, %dma_wait3A_68] : memref<10000x128xf32, #tpu.memory_space<vmem_shared>> -> memref<10000x128xf32, #tpu.memory_space<vmem_shared>>
          tpu.wait_indirect_dma semaphore(%run_scoped3A : memref<!tpu.dma_semaphore, #tpu.memory_space<semaphore_mem>>) src(%arg12 : memref<128x128xf32, #tpu.memory_space<vmem>>) dst(%dma_wait3A_69 : memref<10000x128xf32, #tpu.memory_space<vmem_shared>>)
          tpu.yield
        }) : () -> ()
      }
      %scan3A_41 = arith.constant 2 : i32
    } else {
    }
    %barrier3A_23 = arith.constant 0 : index
    tpu.barrier barrier_id(%barrier3A_23)
    %add3A_24 = arith.constant 0 : i32
    %add3A_25 = arith.addi %arg1, %add3A_24 : i32
    %lt3A = arith.constant 25 : i32
    %lt3A_26 = arith.cmpi slt, %add3A_25, %lt3A : i32
    %convert_element_type3A_27 = arith.extui %lt3A_26 : i1 to i32
    %cond3A_28 = arith.constant 0 : i32
    %cond3A_29 = arith.cmpi ne, %convert_element_type3A_27, %cond3A_28 : i32
    scf.if %cond3A_29 {
      %mul3A_37 = arith.constant 400 : i32
      %mul3A_38 = arith.muli %add3A_25, %mul3A_37 : i32
      %mul3A_39 = arith.constant 2 : i32
      %mul3A_40 = arith.muli %add3A_25, %mul3A_39 : i32
      %mul3A_41 = arith.constant 400 : i32
      %mul3A_42 = arith.muli %mul3A_40, %mul3A_41 : i32
      %mul3A_43 = arith.constant 400 : i32
      %mul3A_44 = arith.muli %arg0, %mul3A_43 : i32
      %add3A_45 = arith.addi %mul3A_42, %mul3A_44 : i32
      "tpu.region"() ({
        %run_scoped3A = tpu.sem_alloc : memref<!tpu.dma_semaphore, #tpu.memory_space<semaphore_mem>>
        %dma_start3A_46 = arith.constant 0 : i32
        %dma_start3A_47 = tpu.memref_slice %arg6[%add3A_45, %dma_start3A_46] : memref<20000x128xf32, #tpu.memory_space<hbm>> -> memref<400x128xf32, #tpu.memory_space<hbm>>
        %dma_start3A_48 = arith.constant 0 : i32
        %dma_start3A_49 = tpu.memref_slice %arg7[%mul3A_38, %dma_start3A_48] : memref<10000x128xf32, #tpu.memory_space<vmem_shared>> -> memref<400x128xf32, #tpu.memory_space<vmem_shared>>
        tpu.enqueue_dma source(%dma_start3A_49 : memref<400x128xf32, #tpu.memory_space<vmem_shared>>) target(%dma_start3A_47 : memref<400x128xf32, #tpu.memory_space<hbm>>) target_semaphore(%run_scoped3A : memref<!tpu.dma_semaphore, #tpu.memory_space<semaphore_mem>>)
        %dma_wait3A_50 = arith.constant 0 : i32
        %dma_wait3A_51 = tpu.memref_slice %arg6[%add3A_45, %dma_wait3A_50] : memref<20000x128xf32, #tpu.memory_space<hbm>> -> memref<400x128xf32, #tpu.memory_space<hbm>>
        %dma_wait3A_52 = arith.constant 0 : i32
        %dma_wait3A_53 = tpu.memref_slice %arg7[%mul3A_38, %dma_wait3A_52] : memref<10000x128xf32, #tpu.memory_space<vmem_shared>> -> memref<400x128xf32, #tpu.memory_space<vmem_shared>>
        tpu.wait_dma2 semaphore(%run_scoped3A : memref<!tpu.dma_semaphore, #tpu.memory_space<semaphore_mem>>) src(%dma_wait3A_53 : memref<400x128xf32, #tpu.memory_space<vmem_shared>>) dst(%dma_wait3A_51 : memref<400x128xf32, #tpu.memory_space<hbm>>)
        tpu.yield
      }) : () -> ()
    } else {
    }
    %add3A_30 = arith.constant 16 : i32
    %add3A_31 = arith.addi %arg1, %add3A_30 : i32
    %lt3A_32 = arith.constant 25 : i32
    %lt3A_33 = arith.cmpi slt, %add3A_31, %lt3A_32 : i32
    %convert_element_type3A_34 = arith.extui %lt3A_33 : i1 to i32
    %cond3A_35 = arith.constant 0 : i32
    %cond3A_36 = arith.cmpi ne, %convert_element_type3A_34, %cond3A_35 : i32
    scf.if %cond3A_36 {
      %mul3A_37 = arith.constant 400 : i32
      %mul3A_38 = arith.muli %add3A_31, %mul3A_37 : i32
      %mul3A_39 = arith.constant 2 : i32
      %mul3A_40 = arith.muli %add3A_31, %mul3A_39 : i32
      %mul3A_41 = arith.constant 400 : i32
      %mul3A_42 = arith.muli %mul3A_40, %mul3A_41 : i32
      %mul3A_43 = arith.constant 400 : i32
      %mul3A_44 = arith.muli %arg0, %mul3A_43 : i32
      %add3A_45 = arith.addi %mul3A_42, %mul3A_44 : i32
      "tpu.region"() ({
        %run_scoped3A = tpu.sem_alloc : memref<!tpu.dma_semaphore, #tpu.memory_space<semaphore_mem>>
        %dma_start3A_46 = arith.constant 0 : i32
        %dma_start3A_47 = tpu.memref_slice %arg6[%add3A_45, %dma_start3A_46] : memref<20000x128xf32, #tpu.memory_space<hbm>> -> memref<400x128xf32, #tpu.memory_space<hbm>>
        %dma_start3A_48 = arith.constant 0 : i32
        %dma_start3A_49 = tpu.memref_slice %arg7[%mul3A_38, %dma_start3A_48] : memref<10000x128xf32, #tpu.memory_space<vmem_shared>> -> memref<400x128xf32, #tpu.memory_space<vmem_shared>>
        tpu.enqueue_dma source(%dma_start3A_49 : memref<400x128xf32, #tpu.memory_space<vmem_shared>>) target(%dma_start3A_47 : memref<400x128xf32, #tpu.memory_space<hbm>>) target_semaphore(%run_scoped3A : memref<!tpu.dma_semaphore, #tpu.memory_space<semaphore_mem>>)
        %dma_wait3A_50 = arith.constant 0 : i32
        %dma_wait3A_51 = tpu.memref_slice %arg6[%add3A_45, %dma_wait3A_50] : memref<20000x128xf32, #tpu.memory_space<hbm>> -> memref<400x128xf32, #tpu.memory_space<hbm>>
        %dma_wait3A_52 = arith.constant 0 : i32
        %dma_wait3A_53 = tpu.memref_slice %arg7[%mul3A_38, %dma_wait3A_52] : memref<10000x128xf32, #tpu.memory_space<vmem_shared>> -> memref<400x128xf32, #tpu.memory_space<vmem_shared>>
        tpu.wait_dma2 semaphore(%run_scoped3A : memref<!tpu.dma_semaphore, #tpu.memory_space<semaphore_mem>>) src(%dma_wait3A_53 : memref<400x128xf32, #tpu.memory_space<vmem_shared>>) dst(%dma_wait3A_51 : memref<400x128xf32, #tpu.memory_space<hbm>>)
        tpu.yield
      }) : () -> ()
    } else {
    }
    return
  }
}

module attributes {stable_mosaic.version = 14 : i64} {
  func.func @_mm_body(%arg0: i32, %arg1: memref<400x256xf32, #tpu.memory_space<vmem>>, %arg2: memref<256x256xf32, #tpu.memory_space<vmem>>, %arg3: memref<400x400xf32, #tpu.memory_space<vmem>>, %arg4: memref<25x400xf32, #tpu.memory_space<vmem>>, %arg5: memref<25x400xf32, #tpu.memory_space<vmem>>, %arg6: memref<800x128xf32, #tpu.memory_space<vmem>>) attributes {dimension_semantics = [#tpu.dimension_semantics<arbitrary>], iteration_bounds = array<i64: 25>, scalar_prefetch = 0 : i64, scratch_operands = 0 : i64, tpu.core_type = #tpu.core_type<tc>, window_params = [{transform_indices = @transform_0, window_bounds = array<i64: 400, 256>}, {pipeline_mode = #tpu.pipeline_mode<synchronous>, transform_indices = @transform_1, window_bounds = array<i64: 256, 256>}, {pipeline_mode = #tpu.pipeline_mode<synchronous>, transform_indices = @transform_2, window_bounds = array<i64: 400, 400>}, {pipeline_mode = #tpu.pipeline_mode<synchronous>, transform_indices = @transform_3, window_bounds = array<i64: 25, 400>}, {pipeline_mode = #tpu.pipeline_mode<synchronous>, transform_indices = @transform_4, window_bounds = array<i64: 25, 400>}, {transform_indices = @transform_5, window_bounds = array<i64: 800, 128>}]} {
    %get3A = arith.index_cast %arg0 : i32 to index
    %get3A_0 = arith.constant 0 : index
    %get3A_1 = vector.load %arg4[%get3A, %get3A_0] : memref<25x400xf32, #tpu.memory_space<vmem>>, vector<1x400xf32>
    %get3A_2 = arith.index_cast %arg0 : i32 to index
    %get3A_3 = arith.constant 0 : index
    %get3A_4 = vector.load %arg5[%get3A_2, %get3A_3] : memref<25x400xf32, #tpu.memory_space<vmem>>, vector<1x400xf32>
    %add3A = arith.constant 1.000000e+00 : f32
    %add3A_5 = vector.broadcast %add3A : f32 to vector<1x400xf32>
    %add3A_6 = arith.addf %add3A_5, %get3A_1 : vector<1x400xf32>
    %add3A_7 = arith.addf %add3A_6, %get3A_4 : vector<1x400xf32>
    %rsqrt3A = math.rsqrt %add3A_7 : vector<1x400xf32>
    %get3A_8 = arith.constant 0 : index
    %get3A_9 = arith.constant 0 : index
    %get3A_10 = vector.load %arg3[%get3A_8, %get3A_9] : memref<400x400xf32, #tpu.memory_space<vmem>>, vector<400x400xf32>
    %dot_general3A = arith.constant dense<0.000000e+00> : vector<400x1xf32>
    %dot_general3A_11 = tpu.matmul %get3A_10, %rsqrt3A, %dot_general3A {dimension_numbers = #tpu.dot_dimension_numbers<[1], [1], [0], [0], [0, 0, 1, 0], [], []>, transpose_lhs_hint = false} : vector<400x400xf32>, vector<1x400xf32>, vector<400x1xf32> -> vector<400x1xf32>
    %get3A_12 = arith.constant 0 : index
    %get3A_13 = arith.constant 0 : index
    %get3A_14 = vector.load %arg1[%get3A_12, %get3A_13] : memref<400x256xf32, #tpu.memory_space<vmem>>, vector<400x256xf32>
    %get3A_15 = arith.constant 0 : index
    %get3A_16 = arith.constant 0 : index
    %get3A_17 = vector.load %arg2[%get3A_15, %get3A_16] : memref<256x256xf32, #tpu.memory_space<vmem>>, vector<256x256xf32>
    %dot_general3A_18 = arith.constant dense<0.000000e+00> : vector<400x256xf32>
    %dot_general3A_19 = tpu.matmul %get3A_14, %get3A_17, %dot_general3A_18 {dimension_numbers = #tpu.dot_dimension_numbers<[1], [0], [0], [1], [0, 0, 1, 1], [], []>, transpose_lhs_hint = false} : vector<400x256xf32>, vector<256x256xf32>, vector<400x256xf32> -> vector<400x256xf32>
    %slice3A = vector.extract_strided_slice %dot_general3A_19 {offsets = [0, 0], sizes = [400, 128], strides = [1, 1]} : vector<400x256xf32> to vector<400x128xf32>
    %mul3A = vector.broadcast %dot_general3A_11 : vector<400x1xf32> to vector<400x128xf32>
    %mul3A_20 = arith.mulf %slice3A, %mul3A : vector<400x128xf32>
    %swap3A = arith.constant 0 : index
    %swap3A_21 = arith.constant 0 : index
    %swap3A_22 = vector.load %arg6[%swap3A, %swap3A_21] : memref<800x128xf32, #tpu.memory_space<vmem>>, vector<400x128xf32>
    tpu.vector_store %arg6[%swap3A, %swap3A_21], %mul3A_20 {strides = array<i32>} : memref<800x128xf32, #tpu.memory_space<vmem>>, vector<400x128xf32>,
    %slice3A_23 = vector.extract_strided_slice %dot_general3A_19 {offsets = [0, 128], sizes = [400, 128], strides = [1, 1]} : vector<400x256xf32> to vector<400x128xf32>
    %mul3A_24 = vector.broadcast %dot_general3A_11 : vector<400x1xf32> to vector<400x128xf32>
    %mul3A_25 = arith.mulf %slice3A_23, %mul3A_24 : vector<400x128xf32>
    %swap3A_26 = arith.constant 400 : index
    %swap3A_27 = arith.constant 0 : index
    %swap3A_28 = vector.load %arg6[%swap3A_26, %swap3A_27] : memref<800x128xf32, #tpu.memory_space<vmem>>, vector<400x128xf32>
    tpu.vector_store %arg6[%swap3A_26, %swap3A_27], %mul3A_25 {strides = array<i32>} : memref<800x128xf32, #tpu.memory_space<vmem>>, vector<400x128xf32>,
    return
  }
  func.func @transform_0(%arg0: i32) -> (i32, i32) {
    %c0_i32 = arith.constant 0 : i32
    %c0_i32_0 = arith.constant 0 : i32
    return %arg0, %c0_i32 : i32, i32
  }
  func.func @transform_1(%arg0: i32) -> (i32, i32) {
    %c0_i32 = arith.constant 0 : i32
    %c0_i32_0 = arith.constant 0 : i32
    %c0_i32_1 = arith.constant 0 : i32
    return %c0_i32, %c0_i32_0 : i32, i32
  }
  func.func @transform_2(%arg0: i32) -> (i32, i32) {
    %c0_i32 = arith.constant 0 : i32
    %c0_i32_0 = arith.constant 0 : i32
    %c0_i32_1 = arith.constant 0 : i32
    return %c0_i32, %c0_i32_0 : i32, i32
  }
  func.func @transform_3(%arg0: i32) -> (i32, i32) {
    %c0_i32 = arith.constant 0 : i32
    %c0_i32_0 = arith.constant 0 : i32
    %c0_i32_1 = arith.constant 0 : i32
    return %c0_i32, %c0_i32_0 : i32, i32
  }
  func.func @transform_4(%arg0: i32) -> (i32, i32) {
    %c0_i32 = arith.constant 0 : i32
    %c0_i32_0 = arith.constant 0 : i32
    %c0_i32_1 = arith.constant 0 : i32
    return %c0_i32, %c0_i32_0 : i32, i32
  }
  func.func @transform_5(%arg0: i32) -> (i32, i32) {
    %c0_i32 = arith.constant 0 : i32
    %c0_i32_0 = arith.constant 0 : i32
    return %arg0, %c0_i32 : i32, i32
  }
}

module attributes {stable_mosaic.version = 14 : i64} {
  func.func @_fin_body(%arg0: i32, %arg1: memref<800x128xf32, #tpu.memory_space<vmem>>, %arg2: memref<800x128xf32, #tpu.memory_space<vmem>>, %arg3: memref<400x400xf32, #tpu.memory_space<vmem>>, %arg4: memref<25x400xf32, #tpu.memory_space<vmem>>, %arg5: memref<25x400xf32, #tpu.memory_space<vmem>>, %arg6: memref<1x256xf32, #tpu.memory_space<vmem>>, %arg7: memref<400x256xf32, #tpu.memory_space<vmem>>) attributes {dimension_semantics = [#tpu.dimension_semantics<arbitrary>], iteration_bounds = array<i64: 25>, scalar_prefetch = 0 : i64, scratch_operands = 0 : i64, tpu.core_type = #tpu.core_type<tc>, window_params = [{transform_indices = @transform_0, window_bounds = array<i64: 800, 128>}, {transform_indices = @transform_1, window_bounds = array<i64: 800, 128>}, {pipeline_mode = #tpu.pipeline_mode<synchronous>, transform_indices = @transform_2, window_bounds = array<i64: 400, 400>}, {pipeline_mode = #tpu.pipeline_mode<synchronous>, transform_indices = @transform_3, window_bounds = array<i64: 25, 400>}, {pipeline_mode = #tpu.pipeline_mode<synchronous>, transform_indices = @transform_4, window_bounds = array<i64: 25, 400>}, {pipeline_mode = #tpu.pipeline_mode<synchronous>, transform_indices = @transform_5, window_bounds = array<i64: 1, 256>}, {transform_indices = @transform_6, window_bounds = array<i64: 400, 256>}]} {
    %get3A = arith.index_cast %arg0 : i32 to index
    %get3A_0 = arith.constant 0 : index
    %get3A_1 = vector.load %arg4[%get3A, %get3A_0] : memref<25x400xf32, #tpu.memory_space<vmem>>, vector<1x400xf32>
    %get3A_2 = arith.index_cast %arg0 : i32 to index
    %get3A_3 = arith.constant 0 : index
    %get3A_4 = vector.load %arg5[%get3A_2, %get3A_3] : memref<25x400xf32, #tpu.memory_space<vmem>>, vector<1x400xf32>
    %add3A = arith.constant 1.000000e+00 : f32
    %add3A_5 = vector.broadcast %add3A : f32 to vector<1x400xf32>
    %add3A_6 = arith.addf %add3A_5, %get3A_1 : vector<1x400xf32>
    %add3A_7 = arith.addf %add3A_6, %get3A_4 : vector<1x400xf32>
    %rsqrt3A = math.rsqrt %add3A_7 : vector<1x400xf32>
    %get3A_8 = arith.constant 0 : index
    %get3A_9 = arith.constant 0 : index
    %get3A_10 = vector.load %arg3[%get3A_8, %get3A_9] : memref<400x400xf32, #tpu.memory_space<vmem>>, vector<400x400xf32>
    %dot_general3A = arith.constant dense<0.000000e+00> : vector<400x1xf32>
    %dot_general3A_11 = tpu.matmul %get3A_10, %rsqrt3A, %dot_general3A {dimension_numbers = #tpu.dot_dimension_numbers<[1], [1], [0], [0], [0, 0, 1, 0], [], []>, transpose_lhs_hint = false} : vector<400x400xf32>, vector<1x400xf32>, vector<400x1xf32> -> vector<400x1xf32>
    %get3A_12 = arith.constant 0 : index
    %get3A_13 = arith.constant 0 : index
    %get3A_14 = vector.load %arg1[%get3A_12, %get3A_13] : memref<800x128xf32, #tpu.memory_space<vmem>>, vector<400x128xf32>
    %get3A_15 = arith.constant 0 : index
    %get3A_16 = arith.constant 0 : index
    %get3A_17 = vector.load %arg2[%get3A_15, %get3A_16] : memref<800x128xf32, #tpu.memory_space<vmem>>, vector<400x128xf32>
    %add3A_18 = arith.addf %get3A_14, %get3A_17 : vector<400x128xf32>
    %mul3A = vector.broadcast %dot_general3A_11 : vector<400x1xf32> to vector<400x128xf32>
    %mul3A_19 = arith.mulf %add3A_18, %mul3A : vector<400x128xf32>
    %get3A_20 = arith.constant 400 : index
    %get3A_21 = arith.constant 0 : index
    %get3A_22 = vector.load %arg1[%get3A_20, %get3A_21] : memref<800x128xf32, #tpu.memory_space<vmem>>, vector<400x128xf32>
    %get3A_23 = arith.constant 400 : index
    %get3A_24 = arith.constant 0 : index
    %get3A_25 = vector.load %arg2[%get3A_23, %get3A_24] : memref<800x128xf32, #tpu.memory_space<vmem>>, vector<400x128xf32>
    %add3A_26 = arith.addf %get3A_22, %get3A_25 : vector<400x128xf32>
    %mul3A_27 = vector.broadcast %dot_general3A_11 : vector<400x1xf32> to vector<400x128xf32>
    %mul3A_28 = arith.mulf %add3A_26, %mul3A_27 : vector<400x128xf32>
    %concatenate3A = tpu.concatenate %mul3A_19, %mul3A_28 in 1 : vector<400x128xf32>, vector<400x128xf32> -> vector<400x256xf32>
    %get3A_29 = arith.constant 0 : index
    %get3A_30 = arith.constant 0 : index
    %get3A_31 = vector.load %arg6[%get3A_29, %get3A_30] : memref<1x256xf32, #tpu.memory_space<vmem>>, vector<1x256xf32>
    %add3A_32 = vector.broadcast %get3A_31 : vector<1x256xf32> to vector<400x256xf32>
    %add3A_33 = arith.addf %concatenate3A, %add3A_32 : vector<400x256xf32>
    %max3A = arith.constant 0.000000e+00 : f32
    %max3A_34 = vector.broadcast %max3A : f32 to vector<400x256xf32>
    %max3A_35 = arith.maximumf %add3A_33, %max3A_34 : vector<400x256xf32>
    %swap3A = arith.constant 0 : index
    %swap3A_36 = arith.constant 0 : index
    %swap3A_37 = vector.load %arg7[%swap3A, %swap3A_36] : memref<400x256xf32, #tpu.memory_space<vmem>>, vector<400x256xf32>
    tpu.vector_store %arg7[%swap3A, %swap3A_36], %max3A_35 {strides = array<i32>} : memref<400x256xf32, #tpu.memory_space<vmem>>, vector<400x256xf32>,
    return
  }
  func.func @transform_0(%arg0: i32) -> (i32, i32) {
    %c0_i32 = arith.constant 0 : i32
    %c0_i32_0 = arith.constant 0 : i32
    return %arg0, %c0_i32 : i32, i32
  }
  func.func @transform_1(%arg0: i32) -> (i32, i32) {
    %c0_i32 = arith.constant 0 : i32
    %c0_i32_0 = arith.constant 0 : i32
    return %arg0, %c0_i32 : i32, i32
  }
  func.func @transform_2(%arg0: i32) -> (i32, i32) {
    %c0_i32 = arith.constant 0 : i32
    %c0_i32_0 = arith.constant 0 : i32
    %c0_i32_1 = arith.constant 0 : i32
    return %c0_i32, %c0_i32_0 : i32, i32
  }
  func.func @transform_3(%arg0: i32) -> (i32, i32) {
    %c0_i32 = arith.constant 0 : i32
    %c0_i32_0 = arith.constant 0 : i32
    %c0_i32_1 = arith.constant 0 : i32
    return %c0_i32, %c0_i32_0 : i32, i32
  }
  func.func @transform_4(%arg0: i32) -> (i32, i32) {
    %c0_i32 = arith.constant 0 : i32
    %c0_i32_0 = arith.constant 0 : i32
    %c0_i32_1 = arith.constant 0 : i32
    return %c0_i32, %c0_i32_0 : i32, i32
  }
  func.func @transform_5(%arg0: i32) -> (i32, i32) {
    %c0_i32 = arith.constant 0 : i32
    %c0_i32_0 = arith.constant 0 : i32
    %c0_i32_1 = arith.constant 0 : i32
    return %c0_i32, %c0_i32_0 : i32, i32
  }
  func.func @transform_6(%arg0: i32) -> (i32, i32) {
    %c0_i32 = arith.constant 0 : i32
    %c0_i32_0 = arith.constant 0 : i32
    return %arg0, %c0_i32 : i32, i32
  }
}

</mosaic_0001>

<sc_bundles>
// kernel: kernel.6.cloned.1.call-start
scs
__scs_entry_jumppad:
0x0: {  	(pc) =	sbr.rel $0x88, $3  }
0x1: {  	(tag) =	ssettag $0x0;
	lr =	simm.s32 $0x1  }
0x2: {  	[smem:$0x3F9D] =	sst lr;
	_ =	strace $0xD0000000  }
0x3: {  	_ = 	snop  }
0x4: {  	_ = 	snop  }
0x5: {  	_ = 	snop  }
0x6: {  	_ = 	snop  }
0x7: {  	_ = 	snop  }
__scs_overlays_trampoline_lowered:
0x8: {  	[smem:$0x3FAC] =	sst s0  }
0x9: {  	[smem:$0x3FAD] =	sst s1  }
0xa: {  	[smem:$0x3FAE] =	sst s2  }
0xb: {  	[smem:$0x3FAF] =	sst s3  }
0xc: {  	[smem:$0x3FB0] =	sst s4  }
0xd: {  	[smem:$0x3FB1] =	sst s5  }
0xe: {  	[smem:$0x3FB2] =	sst s6  }
0xf: {  	[smem:$0x3FB3] =	sst s7  }
0x10: {  	[smem:$0x3FB4] =	sst s8  }
0x11: {  	[smem:$0x3FB5] =	sst s9;
	s0 =	simm.s32 @!p0 $0x0  }
0x12: {  	s1 =	sld [smem:$0x3F9B];
	s0 =	simm.s32 @p0 $0x1  }
0x13: {  	[smem:$0x3FB6] =	sst s0;
	s0 =	simm.s32 @!p1 $0x0  }
0x14: {  	s2 =	sld [smem:$0x3F9A];
	s0 =	simm.s32 @p1 $0x1  }
0x15: {  	[smem:$0x3FB7] =	sst s0;
	s0 =	simm.s32 @!p2 $0x0  }
0x16: {  	s3 =	sld [smem:$0x3FDB];
	s0 =	simm.s32 @p2 $0x1  }
0x17: {  	s4 =	simm.s32 $0x1BF5;
	[smem:$0x3FB9] =	sst s0  }
0x18: {  	s0 =	sld [smem:$0x3F9C];
	_ =	swait.ge [sflag:s4], $0x0  }
0x19: {  	s7 =	sld [smem:$0x3F9D]  }
0x1a: {  	s8 =	sadd.s32 $0xFFFFE003, lr  }
0x1b: {  	s9 =	sadd.s32 $0xFFFFFEF7, lr;
	s5 =	simm.s32 $0xFFFFFFFF;
	p2 =	slt.u32 s8, $0xFFFFF086  }
0x1c: {  	p1 =	slt.u32 s9, $0xF7A;
	s5 =	simm.s32 @!p2 $0x0  }
0x1d: {  	s5 =	simm.s32 @p1 $0x1;
	p0 =	seq.s32 s7, s2  }
0x1e: {  	s7 =	smul.u32 @!p0 $0xF7A, s2;
	p2 =	seq.s32 @!p0 s5, $0x0  }
0x1f: {  	s9 =	smul.u32 $0xF7A, s1;
	s8 =	simm.s32 @!p0 $0x1BF5;
	p2 =	por !p2, p0  }
0x20: {  	[sflag:s8] =	ssyncset.s32 @!p0 $0xFFFFF086;
	s6 =	sadd.s32 @!p0 s3, s7;
	s7 =	simm.s32 @!p0 $0x108  }
0x21: {  	s3 =	sadd.s32 s3, s9;
	s6 =	sadd.s32 @!p0 $0x88, s6;
	s7 =	simm.s32 @p2 $0x1082  }
0x22: {  	[simem:s7], [sflag:s8] =	dma.local @!p0 [hbm:s6], $0xF7A  }
0x23: {  	s9 =	sor.u32 $0xD0000000, s2;
	s6 =	simm.s32 $0x108;
	_ =	swait.ge @!p0 [sflag:s8], $0x0  }
0x24: {  	s3 =	sadd.s32 $0x88, s3;
	s6 =	simm.s32 @!p1 $0x1082;
	[sflag:s4] =	ssyncset.s32 $0xFFFFF086  }
0x25: {  	[simem:s6], [sflag:s4] =	dma.local [hbm:s3], $0xF7A  }
0x26: {  	[smem:$0x3F9D] =	sst s1;
	(tag) =	ssettag s2;
	_ =	strace s9  }
0x27: {  	s1 =	sld [smem:$0x3FAD]  }
0x28: {  	s2 =	sld [smem:$0x3FAE]  }
0x29: {  	s4 =	sld [smem:$0x3FB0]  }
0x2a: {  	p0 =	seq.s32 s5, $0x0;
	s5 =	sld [smem:$0x3FB1]  }
0x2b: {  	s6 =	sld [smem:$0x3FB2]  }
0x2c: {  	s7 =	sld [smem:$0x3FB3]  }
0x2d: {  	s3 =	simm.s32 $0x108;
	s8 =	sld [smem:$0x3FB4]  }
0x2e: {  	s3 =	simm.s32 @!p0 $0x1082;
	s9 =	sld [smem:$0x3FB5]  }
0x2f: {  	lr =	sadd.s32 s0, s3;
	s0 =	sld [smem:$0x3FAC]  }
0x30: {  	s3 =	sld [smem:$0x3FAF]  }
0x31: {  	[smem:$0x3FB8] =	sst s10  }
0x32: {  	s10 =	sld [smem:$0x3FB6];
	_ =	sdelay $0x3  }
0x33: {  	p0 =	seq.s32 s10, $0x1;
	s10 =	sld [smem:$0x3FB8];
	_ =	sdelay $0x3  }
0x34: {  	[smem:$0x3FB8] =	sst s10  }
0x35: {  	s10 =	sld [smem:$0x3FB7];
	_ =	sdelay $0x3  }
0x36: {  	p1 =	seq.s32 s10, $0x1;
	s10 =	sld [smem:$0x3FB8];
	_ =	sdelay $0x3  }
0x37: {  	[smem:$0x3FB8] =	sst s10  }
0x38: {  	s10 =	sld [smem:$0x3FB9]  }
0x39: {  	_ = 	snop;
	(pc) =	sbr.ind lr, $3  }
0x3a: {  	_ = 	snop  }
0x3b: {  	_ = 	snop  }
0x3c: {  	p2 =	seq.s32 s10, $0x1;
	s10 =	sld [smem:$0x3FB8]  }
0x3d: {  	_ =	shalt  }
0x3e: {  	_ =	shalt  }
0x3f: {  	_ =	shalt  }
0x40: {  	_ =	shalt  }
0x41: {  	_ =	shalt  }
0x42: {  	_ =	shalt  }
0x43: {  	_ =	shalt  }
0x44: {  	_ =	shalt  }
0x45: {  	_ =	shalt  }
0x46: {  	_ =	shalt  }
0x47: {  	_ =	shalt  }
0x48: {  	_ =	shalt  }
0x49: {  	_ =	shalt  }
0x4a: {  	_ =	shalt  }
0x4b: {  	_ =	shalt  }
0x4c: {  	_ =	shalt  }
0x4d: {  	_ =	shalt  }
0x4e: {  	_ =	shalt  }
0x4f: {  	_ =	shalt  }
0x50: {  	_ =	shalt  }
0x51: {  	_ =	shalt  }
0x52: {  	_ =	shalt  }
0x53: {  	_ =	shalt  }
0x54: {  	_ =	shalt  }
0x55: {  	_ =	shalt  }
0x56: {  	_ =	shalt  }
0x57: {  	_ =	shalt  }
0x58: {  	_ =	shalt  }
0x59: {  	_ =	shalt  }
0x5a: {  	_ =	shalt  }
0x5b: {  	_ =	shalt  }
0x5c: {  	_ =	shalt  }
0x5d: {  	_ =	shalt  }
0x5e: {  	_ =	shalt  }
0x5f: {  	_ =	shalt  }
0x60: {  	_ =	shalt  }
0x61: {  	_ =	shalt  }
0x62: {  	_ =	shalt  }
0x63: {  	_ =	shalt  }
0x64: {  	_ =	shalt  }
0x65: {  	_ =	shalt  }
0x66: {  	_ =	shalt  }
0x67: {  	_ =	shalt  }
0x68: {  	_ =	shalt  }
0x69: {  	_ =	shalt  }
0x6a: {  	_ =	shalt  }
0x6b: {  	_ =	shalt  }
0x6c: {  	_ =	shalt  }
0x6d: {  	_ =	shalt  }
0x6e: {  	_ =	shalt  }
0x6f: {  	_ =	shalt  }
0x70: {  	_ =	shalt  }
0x71: {  	_ =	shalt  }
0x72: {  	_ =	shalt  }
0x73: {  	_ =	shalt  }
0x74: {  	_ =	shalt  }
0x75: {  	_ =	shalt  }
0x76: {  	_ =	shalt  }
0x77: {  	_ =	shalt  }
0x78: {  	_ =	shalt  }
0x79: {  	_ =	shalt  }
0x7a: {  	_ =	shalt  }
0x7b: {  	_ =	shalt  }
0x7c: {  	_ =	shalt  }
0x7d: {  	_ =	shalt  }
0x7e: {  	_ =	shalt  }
0x7f: {  	_ =	shalt  }
0x80: {  	_ =	shalt  }
0x81: {  	_ =	shalt  }
0x82: {  	_ =	shalt  }
0x83: {  	_ =	shalt  }
0x84: {  	_ =	shalt  }
0x85: {  	_ =	shalt  }
0x86: {  	_ =	shalt  }
0x87: {  	_ =	shalt  }
.Lfunc_end0:
.L_simem_size_0:
called_computation_lowered:
.L_overlay_start_0:
0x88: {  	s2 =	sld [smem:$0x3FD9]  }
0x89: {  	s3 =	sld [smem:$0x3FFE];
	_ =	sdelay $0x1  }
0x8a: {  	s1 =	srdreg.scid  }
0x8b: {  	s0 =	sand.u32 $0x1, s1  }
0x8c: {  	s17 =	sshll.u32 s0, $0xA;
	s2 =	sadd.s32 s3, s2  }
0x8d: {  	s2 =	sadd.s32 s2, s17  }
0x8e: {  	[smem:$0x3FC4] =	sst s2  }
0x8f: {  	_ = 	snop  }
0x90: {  	s2 =	sld [smem:$0x3FD0];
	(tm) =	ssettm $0x1  }
0x91: {  	s18 =	sld [smem:$0x3FFB];
	_ =	sdelay $0x3  }
0x92: {  	_ =	strace s18  }
0x93: {  	s3 =	sld [smem:$0x3FFC];
	_ =	sdelay $0x3  }
0x94: {  	_ =	strace s3  }
0x95: {  	s3 =	sld [smem:$0x3FFD];
	_ =	sdelay $0x3  }
0x96: {  	_ =	strace s3  }
0x97: {  	_ =	strace $0x8FFFFFFF  }
0x98: {  	s19 =	sld [smem:$0x3FDB];
	_ =	sdelay $0x1  }
0x99: {  	s4 =	simm.s32 $_scs_section_size  }
0x9a: {  	s5 =	simm.s32 $_size__tile_overlayer_lowered;
	s6 =	simm.s32 $_tile_overlayer_lowered  }
0x9b: {  	s22 =	simm.s32 $0x1BFF;
	s21 =	sshll.u32 s6, $0x1;
	s3 =	sadd.s32 s4, s19  }
0x9c: {  	s7 =	simm.s32 $0x0;
	s20 =	sshll.u32 s5, $0x1;
	s5 =	sadd.s32 s21, s3  }
0x9d: {  	[timem:s7], [sflag:s22] =	dma.local [hbm:s5], s20  }
0x9e: {  	_ =	swait.ge [sflag:s22], s20  }
0x9f: {  	s4 =	ssub.s32 $0x0, s20;
	[sflag:s22] =	ssyncset.done $0x0  }
0xa0: {  	[sflag:s22] =	ssyncadd.s32 s4;
	_ =	sdelay $0x1  }
0xa1: {  	s23 =	simm.s32 $0x1B8B  }
0xa2: {  	_ =	swait.ge [sflag:s23], $0x1  }
0xa3: {  	[sflag:s23] =	ssyncset.done $0x0  }
0xa4: {  	s25 =	simm.s32 $0x1B8E;
	s24 =	sld [smem:$0x3FFE];
	[sflag:s23] =	ssyncadd.s32 $0xFFFFFFFF  }
0xa5: {  	s26 =	simm.s32 $execute0_lowered;
	[smem:$0x3FD2] =	sst s25  }
0xa6: {  	s5 =	sshll.u32 s26, $0x1;
	_ =	strace $0x80000046;
	[dreg:$0x1] =	wrdreg $0xFFFFFFFF  }
0xa7: {  	s28 =	simm.s32 $_size_execute0_lowered;
	s3 =	sadd.s32 s3, s5;
	[dreg:$0x0] =	wrdreg $0x0  }
0xa8: {  	s5 =	sshll.u32 s28, $0x1;
	[dreg:$0x2] =	wrdreg s3  }
0xa9: {  	[dreg:$0x3] =	wrdreg s5  }
0xaa: {  	[dreg:$0x4] =	wrdreg $0xC0  }
0xab: {  	_ =	task [dreg:s7], $0x5FFFF  }
0xac: {  	[dreg:$0x1] =	wrdreg $0xFFFFFFFF  }
0xad: {  	[dreg:$0x0] =	wrdreg $0x60  }
0xae: {  	[dreg:$0x2] =	wrdreg s24  }
0xaf: {  	[dreg:$0x3] =	wrdreg s2  }
0xb0: {  	[dreg:$0x4] =	wrdreg $0x0  }
0xb1: {  	[dreg:$0x5] =	wrdreg $0x9  }
0xb2: {  	_ =	task.clear_ibuf [dreg:s7], $0x6FFFF;
	_ =	strace $0x90000046  }
0xb3: {  	s29 =	simm.s32 $0x9;
	_ =	strace $0x80000048  }
0xb4: {  	_ =	swait.ge [sflag:s29], $0x1  }
0xb5: {  	[sflag:s29] =	ssyncadd.s32 $0xFFFFFFFF  }
0xb6: {  	_ =	strace $0x90000048  }
0xb7: {  	_ =	sfence  }
0xb8: {  	s30 =	sld [smem:$0x0];
	_ =	sdelay $0x2  }
0xb9: {  	s31 =	sshll.u32 s1, $0xD;
	s1 =	sshrl.u32 s1, $0x2  }
0xba: {  	s3 =	sand.u32 $0x4000, s31;
	s1 =	sadd.s32 s1, s30  }
0xbb: {  	s0 =	sor.u32 s3, s0;
	s1 =	sshll.u32 s1, $0x11  }
0xbc: {  	s0 =	sor.u32 s1, s0  }
0xbd: {  	s0 =	sadd.s32 $0x8F2B, s0  }
0xbe: {  	[sflag:s0] =	ssyncadd.remote.s32 $0x1  }
0xbf: {  	_ =	sfence.sel $0xFFFF  }
0xc0: {  	[dreg:$0x0] =	wrdreg $0xFFFFFFFF;
	(pc) =	sbr.abs _section_cstart, $3  }
0xc1: {  	[dreg:$0x1] =	wrdreg $0xFFFFFFFF  }
0xc2: {  	_ =	task.clear_ibuf [dreg:s7], $0x2FFFF;
	_ =	strace $0x9FFFFFFF  }
0xc3: {  	(tm) =	ssettm $0x7FFFFFFF  }
tec
execute0_lowered:
.L_overlay_start_1:
0x0: {  	(tag) =	ssettag $0x1  }
0x1: {  	s8 =	rddreg [dreg:$0x0]  }
0x2: {  	s6 =	rddreg [dreg:$0x1]  }
0x3: {  	s1 =	rddreg [dreg:$0x2]  }
0x4: {  	s2 =	srdreg.scid;
	s0 =	rddreg [dreg:$0x3]  }
0x5: {  	s3 =	simm.s32 $0x0;
	s13 =	simm.s32 $0x80;
	s5 =	sand.u32 $0x1, s2  }
0x6: {  	s14 =	simm.s32 $0x300;
	s2 =	stileid.u32;
	s4 =	smul.u32 $0x2700, s5  }
0x7: {  	s17 =	simm.s32 $0x0;
	[smem:$0x7FF] =	sst s3;
	s9 =	smul.u32 $0x280, s2  }
0x8: {  	s7 =	ssub.s32 $0x2, s5;
	s11 =	smul.u32 $0x2800, s5;
	_ =	strace $0x80000047  }
0x9: {  	s29 =	smul.u32 $0x270, s2;
	s15 =	sor.u32 s2, s5;
	s5 =	sadd.s32 $0x5C00, s8  }
0xa: {  	s31 =	sshll.u32 s2, $0x6;
	s10 =	sshrl.u32 s7, $0x1;
	p0 =	sne.s32 s15, $0x0  }
0xb: {  	s15 =	sor.u32 $0x1C01, s31;
	s12 =	sadd.s32 s4, s8;
	s7 =	ssub.s32 s7, s10  }
0xc: {  	s4 =	sadd.s32 s9, s1;
	s9 =	sadd.s32 s9, s11;
	s8 =	sadd.s32 $0x5C10, s8  }
0xd: {  	s10 =	simm.s32 $0x380;
	s11 =	simm.s32 $0x1;
	s9 =	sshrl.u32 s9, $0x3  }
0xe: {  	s7 =	smax.u32 s7, $0x1;
	s30 =	sadd.s32 s29, s12;
	s12 =	simm.s32 $0x280  }
0xf: {  	v0 =	vimm.f32 $1.000000000e+00;
	v1 =	vimm.f32 $0.0e+00;
	s16 =	sshrl.u32 s4, $0x3;
	s6 =	sadd.s32 s6, s9;
	s9 =	sadd.s32 $0xE00, s30  }
.LBB2_1:
0x10: {  	[tilespmem:$0x300] =	vst v0  }
0x11: {  	[tilespmem:$0x310] =	vst v0  }
0x12: {  	[tilespmem:$0x320] =	vst v0  }
0x13: {  	[tilespmem:$0x330] =	vst v0  }
0x14: {  	[tilespmem:$0x340] =	vst v0  }
0x15: {  	[tilespmem:$0x350] =	vst v0  }
0x16: {  	[tilespmem:$0x360] =	vst v0  }
0x17: {  	[tilespmem:$0x370] =	vst v0  }
0x18: {  	[tilespmem:$0x380] =	vst v1  }
0x19: {  	[tilespmem:$0x390] =	vst v1  }
0x1a: {  	[tilespmem:$0x3A0] =	vst v1  }
0x1b: {  	[tilespmem:$0x3B0] =	vst v1  }
0x1c: {  	[tilespmem:$0x3C0] =	vst v1  }
0x1d: {  	[tilespmem:$0x3D0] =	vst v1  }
0x1e: {  	[tilespmem:$0x3E0] =	vst v1  }
0x1f: {  	[tilespmem:$0x3F0] =	vst v1  }
0x20: {  	[tilespmem:$0x400] =	vst v1  }
0x21: {  	[tilespmem:$0x410] =	vst v1  }
0x22: {  	[tilespmem:$0x420] =	vst v1  }
0x23: {  	[tilespmem:$0x430] =	vst v1  }
0x24: {  	[tilespmem:$0x440] =	vst v1  }
0x25: {  	[tilespmem:$0x450] =	vst v1  }
0x26: {  	[tilespmem:$0x460] =	vst v1  }
0x27: {  	[tilespmem:$0x470] =	vst v1  }
0x28: {  	[tilespmem:$0x480] =	vst v1  }
0x29: {  	[tilespmem:$0x490] =	vst v1  }
0x2a: {  	[tilespmem:$0x4A0] =	vst v1  }
0x2b: {  	[tilespmem:$0x4B0] =	vst v1  }
0x2c: {  	[tilespmem:$0x4C0] =	vst v1  }
0x2d: {  	[tilespmem:$0x4D0] =	vst v1  }
0x2e: {  	[tilespmem:$0x4E0] =	vst v1  }
0x2f: {  	[tilespmem:$0x4F0] =	vst v1  }
0x30: {  	[tilespmem:$0x500] =	vst v1  }
0x31: {  	[tilespmem:$0x510] =	vst v1  }
0x32: {  	[tilespmem:$0x520] =	vst v1  }
0x33: {  	[tilespmem:$0x530] =	vst v1  }
0x34: {  	[tilespmem:$0x540] =	vst v1  }
0x35: {  	[tilespmem:$0x550] =	vst v1  }
0x36: {  	[tilespmem:$0x560] =	vst v1  }
0x37: {  	[tilespmem:$0x570] =	vst v1  }
0x38: {  	[tilespmem:$0x580] =	vst v1  }
0x39: {  	[tilespmem:$0x590] =	vst v1  }
0x3a: {  	[tilespmem:$0x5A0] =	vst v1  }
0x3b: {  	[tilespmem:$0x5B0] =	vst v1  }
0x3c: {  	[tilespmem:$0x5C0] =	vst v1  }
0x3d: {  	[tilespmem:$0x5D0] =	vst v1  }
0x3e: {  	[tilespmem:$0x5E0] =	vst v1  }
0x3f: {  	[tilespmem:$0x5F0] =	vst v1  }
0x40: {  	[spmem:s4] =	stream.linear.scatter [tilespmem:s10], [sflag:$0x1], $0x280, $0x38;
	[tilespmem:$0x600] =	vst v63  }
0x41: {  	_ =	swait.ge [sflag:s11], $0x280  }
0x42: {  	[sflag:s11] =	ssyncset.done $0x0  }
0x43: {  	[sflag:s11] =	ssyncadd.s32 $0xFFFFFD80  }
0x44: {  	s18 =	sadd.s32 $0x0, s9;
	[bflag:$0x0] =	sbarrier.arrive $0xFFFF  }
0x45: {  	[tilespmem:s12], [sflag:$0x1] =	stream.linear.gather [hbm4b:s18+s3], $0x80, $0x38;
	[tilespmem:$0x600] =	vst v63  }
0x46: {  	_ =	swait.ge [sflag:s11], $0x80  }
0x47: {  	[sflag:s11] =	ssyncset.done $0x0  }
0x48: {  	[sflag:s11] =	ssyncadd.s32 $0xFFFFFF80  }
0x49: {  	[spmem:s1] =	stream.indirect.scatter.add.f32 [tilespmem:s14], [sflag:$0x1], $0x1, s12, s13, $0xb8;
	[tilespmem:$0x600] =	vst v63  }
0x4a: {  	_ =	swait.ge [sflag:s11], $0x80  }
0x4b: {  	s19 =	simm.s32 $0x20;
	s18 =	simm.s32 $0x10;
	[sflag:s11] =	ssyncset.done $0x0  }
.LBB2_2:
0x4c: {  	s20 =	sadd.s32 s18, s9  }
0x4d: {  	[sflag:s11] =	ssyncadd.s32 $0xFFFFFF80;
	s18 =	smov.u32 s19;
	s21 =	sadd.s32 $0x10, s19  }
0x4e: {  	[tilespmem:s12], [sflag:$0x1] =	stream.linear.gather [hbm4b:s20+s3], $0x80, $0x38;
	[tilespmem:$0x600] =	vst v63  }
0x4f: {  	p1 =	sne.s32 s19, $0x260;
	_ =	swait.ge [sflag:s11], $0x80  }
.Ltmp0:
0x50: {  	[sflag:s11] =	ssyncset.done $0x0;
	(pc) =	sbr.rel @p1 .LBB2_2-.Ltmp0, $4  }
0x51: {  	[sflag:s11] =	ssyncadd.s32 $0xFFFFFF80  }
0x52: {  	[spmem:s1] =	stream.indirect.scatter.add.f32 [tilespmem:s14], [sflag:$0x1], $0x1, s12, s13, $0xb8;
	[tilespmem:$0x600] =	vst v63  }
0x53: {  	_ =	swait.ge [sflag:s11], $0x80  }
0x54: {  	s19 =	smov.u32 s21;
	[sflag:s11] =	ssyncset.done $0x0  }
0x55: {  	s18 =	sadd.s32 s18, s9;
	[sflag:s11] =	ssyncadd.s32 $0xFFFFFF80  }
0x56: {  	[tilespmem:s12], [sflag:$0x1] =	stream.linear.gather [hbm4b:s18+s3], $0x80, $0x38;
	[tilespmem:$0x600] =	vst v63  }
0x57: {  	_ =	swait.ge [sflag:s11], $0x80  }
0x58: {  	[sflag:s11] =	ssyncset.done $0x0  }
0x59: {  	[sflag:s11] =	ssyncadd.s32 $0xFFFFFF80  }
0x5a: {  	[spmem:s1] =	stream.indirect.scatter.add.f32 [tilespmem:s14], [sflag:$0x1], $0x1, s12, s13, $0xb8;
	[tilespmem:$0x600] =	vst v63  }
0x5b: {  	_ =	swait.ge [sflag:s11], $0x80  }
0x5c: {  	s19 =	simm.s32 @!p0 $0x280;
	[sflag:s11] =	ssyncset.done $0x0  }
0x5d: {  	s20 =	simm.s32 @!p0 $0x1;
	s18 =	simm.s32 @!p0 $0x0;
	[sflag:s11] =	ssyncadd.s32 $0xFFFFFF80  }
0x5e: {  	[tilespmem:s19], [sflag:$0x1] =	stream.linear.gather @!p0 [hbm4b:s5+s18], $0x80, $0x38;
	[tilespmem:$0x600] =	vst v63  }
0x5f: {  	_ =	swait.ge @!p0 [sflag:s20], $0x80  }
0x60: {  	[sflag:s20] =	ssyncset.done @!p0 $0x0  }
0x61: {  	s21 =	simm.s32 @!p0 $0x80;
	s22 =	simm.s32 @!p0 $0x300;
	[sflag:s20] =	ssyncadd.s32 @!p0 $0xFFFFFF80  }
0x62: {  	[spmem:s1] =	stream.indirect.scatter.add.f32 @!p0 [tilespmem:s22], [sflag:$0x1], $0x1, s19, s21, $0xb8;
	[tilespmem:$0x600] =	vst v63  }
0x63: {  	_ =	swait.ge @!p0 [sflag:s20], $0x80  }
0x64: {  	[sflag:s20] =	ssyncset.done @!p0 $0x0  }
0x65: {  	[sflag:s20] =	ssyncadd.s32 @!p0 $0xFFFFFF80  }
0x66: {  	[tilespmem:s19], [sflag:$0x1] =	stream.linear.gather @!p0 [hbm4b:s8+s18], $0x80, $0x38;
	[tilespmem:$0x600] =	vst v63  }
0x67: {  	_ =	swait.ge @!p0 [sflag:s20], $0x80  }
0x68: {  	[sflag:s20] =	ssyncset.done @!p0 $0x0  }
0x69: {  	[sflag:s20] =	ssyncadd.s32 @!p0 $0xFFFFFF80  }
0x6a: {  	[spmem:s1] =	stream.indirect.scatter.add.f32 @!p0 [tilespmem:s22], [sflag:$0x1], $0x1, s19, s21, $0xb8;
	[tilespmem:$0x600] =	vst v63  }
0x6b: {  	_ =	swait.ge @!p0 [sflag:s20], $0x80  }
0x6c: {  	s17 =	sadd.s32 $0x1, s17;
	[sflag:s20] =	ssyncset.done @!p0 $0x0  }
0x6d: {  	p1 =	sne.s32 s17, s7;
	[sflag:s20] =	ssyncadd.s32 @!p0 $0xFFFFFF80  }
.Ltmp1:
0x6e: {  	[bflag:$0x0] =	sbarrier.arrive $0xFFFF;
	(pc) =	sbr.rel @p1 .LBB2_1-.Ltmp1, $4  }
0x6f: {  	[hbm:s6], [sflag:s15] =	dma.local [spmem:s16], $0x50  }
0x70: {  	_ =	swait.ge [sflag:s11], $0x50  }
0x71: {  	[sflag:s11] =	ssyncset.done $0x0  }
0x72: {  	[sflag:s11] =	ssyncadd.s32 $0xFFFFFFB0  }
0x73: {  	_ =	sfence.sel $0x180000  }
0x74: {  	[bflag:$0x0] =	sbarrier.arrive $0xFFFF  }
0x75: {  	p0 =	sne.s32 s2, $0x0;
	_ =	strace $0x90000047  }
0x76: {  	s0 =	sadd.s32 @!p0 $0x100000, s0;
	[bflag:$0x2] =	sbarrier.arrive $0xFFFF  }
0x77: {  	[sflag:s0] =	ssyncadd.tile.s32 @!p0 $0x1;
	_ =	shalt  }
.Lfunc_end2:
_tile_overlayer_lowered:
.L_overlay_start_2:
0x78: {  	(tag) =	ssettag $0x2  }
0x79: {  	s0 =	rddreg [dreg:$0x0];
	s2 =	stileid.u32  }
0x7a: {  	s1 =	rddreg [dreg:$0x1];
	p0 =	sne.s32 s2, $0x0  }
0x7b: {  	s3 =	rddreg [dreg:$0x2];
	[bflag:$0x3] =	sbarrier.arrive $0xFFFF;
	s2 =	simm.s32 @!p0 $0x1C01  }
0x7c: {  	[timem:s3], [sflag:s2] =	dma.local @!p0 [hbm:s0], s1  }
0x7d: {  	s0 =	simm.s32 @!p0 $0x1  }
0x7e: {  	_ =	swait.ge @!p0 [sflag:s0], s1  }
0x7f: {  	s1 =	ssub.s32 @!p0 $0x0, s1;
	[sflag:s0] =	ssyncset.done @!p0 $0x0  }
0x80: {  	[sflag:s0] =	ssyncadd.s32 @!p0 s1  }
0x81: {  	[bflag:$0x3] =	sbarrier.arrive $0xFFFF  }
0x82: {  	_ =	shalt  }

// kernel: kernel.9.cloned.1.call-start
scs
__scs_entry_jumppad:
0x0: {  	(pc) =	sbr.rel $0x88, $3  }
0x1: {  	(tag) =	ssettag $0x0;
	lr =	simm.s32 $0x1  }
0x2: {  	[smem:$0x3F9D] =	sst lr;
	_ =	strace $0xD0000000  }
0x3: {  	_ = 	snop  }
0x4: {  	_ = 	snop  }
0x5: {  	_ = 	snop  }
0x6: {  	_ = 	snop  }
0x7: {  	_ = 	snop  }
__scs_overlays_trampoline_lowered:
0x8: {  	[smem:$0x3FAC] =	sst s0  }
0x9: {  	[smem:$0x3FAD] =	sst s1  }
0xa: {  	[smem:$0x3FAE] =	sst s2  }
0xb: {  	[smem:$0x3FAF] =	sst s3  }
0xc: {  	[smem:$0x3FB0] =	sst s4  }
0xd: {  	[smem:$0x3FB1] =	sst s5  }
0xe: {  	[smem:$0x3FB2] =	sst s6  }
0xf: {  	[smem:$0x3FB3] =	sst s7  }
0x10: {  	[smem:$0x3FB4] =	sst s8  }
0x11: {  	[smem:$0x3FB5] =	sst s9;
	s0 =	simm.s32 @!p0 $0x0  }
0x12: {  	s1 =	sld [smem:$0x3F9B];
	s0 =	simm.s32 @p0 $0x1  }
0x13: {  	[smem:$0x3FB6] =	sst s0;
	s0 =	simm.s32 @!p1 $0x0  }
0x14: {  	s2 =	sld [smem:$0x3F9A];
	s0 =	simm.s32 @p1 $0x1  }
0x15: {  	[smem:$0x3FB7] =	sst s0;
	s0 =	simm.s32 @!p2 $0x0  }
0x16: {  	s3 =	sld [smem:$0x3FDB];
	s0 =	simm.s32 @p2 $0x1  }
0x17: {  	s4 =	simm.s32 $0x1BF5;
	[smem:$0x3FB9] =	sst s0  }
0x18: {  	s0 =	sld [smem:$0x3F9C];
	_ =	swait.ge [sflag:s4], $0x0  }
0x19: {  	s7 =	sld [smem:$0x3F9D]  }
0x1a: {  	s8 =	sadd.s32 $0xFFFFE003, lr  }
0x1b: {  	s9 =	sadd.s32 $0xFFFFFEF7, lr;
	s5 =	simm.s32 $0xFFFFFFFF;
	p2 =	slt.u32 s8, $0xFFFFF086  }
0x1c: {  	p1 =	slt.u32 s9, $0xF7A;
	s5 =	simm.s32 @!p2 $0x0  }
0x1d: {  	s5 =	simm.s32 @p1 $0x1;
	p0 =	seq.s32 s7, s2  }
0x1e: {  	s7 =	smul.u32 @!p0 $0xF7A, s2;
	p2 =	seq.s32 @!p0 s5, $0x0  }
0x1f: {  	s9 =	smul.u32 $0xF7A, s1;
	s8 =	simm.s32 @!p0 $0x1BF5;
	p2 =	por !p2, p0  }
0x20: {  	[sflag:s8] =	ssyncset.s32 @!p0 $0xFFFFF086;
	s6 =	sadd.s32 @!p0 s3, s7;
	s7 =	simm.s32 @!p0 $0x108  }
0x21: {  	s3 =	sadd.s32 s3, s9;
	s6 =	sadd.s32 @!p0 $0x88, s6;
	s7 =	simm.s32 @p2 $0x1082  }
0x22: {  	[simem:s7], [sflag:s8] =	dma.local @!p0 [hbm:s6], $0xF7A  }
0x23: {  	s9 =	sor.u32 $0xD0000000, s2;
	s6 =	simm.s32 $0x108;
	_ =	swait.ge @!p0 [sflag:s8], $0x0  }
0x24: {  	s3 =	sadd.s32 $0x88, s3;
	s6 =	simm.s32 @!p1 $0x1082;
	[sflag:s4] =	ssyncset.s32 $0xFFFFF086  }
0x25: {  	[simem:s6], [sflag:s4] =	dma.local [hbm:s3], $0xF7A  }
0x26: {  	[smem:$0x3F9D] =	sst s1;
	(tag) =	ssettag s2;
	_ =	strace s9  }
0x27: {  	s1 =	sld [smem:$0x3FAD]  }
0x28: {  	s2 =	sld [smem:$0x3FAE]  }
0x29: {  	s4 =	sld [smem:$0x3FB0]  }
0x2a: {  	p0 =	seq.s32 s5, $0x0;
	s5 =	sld [smem:$0x3FB1]  }
0x2b: {  	s6 =	sld [smem:$0x3FB2]  }
0x2c: {  	s7 =	sld [smem:$0x3FB3]  }
0x2d: {  	s3 =	simm.s32 $0x108;
	s8 =	sld [smem:$0x3FB4]  }
0x2e: {  	s3 =	simm.s32 @!p0 $0x1082;
	s9 =	sld [smem:$0x3FB5]  }
0x2f: {  	lr =	sadd.s32 s0, s3;
	s0 =	sld [smem:$0x3FAC]  }
0x30: {  	s3 =	sld [smem:$0x3FAF]  }
0x31: {  	[smem:$0x3FB8] =	sst s10  }
0x32: {  	s10 =	sld [smem:$0x3FB6];
	_ =	sdelay $0x3  }
0x33: {  	p0 =	seq.s32 s10, $0x1;
	s10 =	sld [smem:$0x3FB8];
	_ =	sdelay $0x3  }
0x34: {  	[smem:$0x3FB8] =	sst s10  }
0x35: {  	s10 =	sld [smem:$0x3FB7];
	_ =	sdelay $0x3  }
0x36: {  	p1 =	seq.s32 s10, $0x1;
	s10 =	sld [smem:$0x3FB8];
	_ =	sdelay $0x3  }
0x37: {  	[smem:$0x3FB8] =	sst s10  }
0x38: {  	s10 =	sld [smem:$0x3FB9]  }
0x39: {  	_ = 	snop;
	(pc) =	sbr.ind lr, $3  }
0x3a: {  	_ = 	snop  }
0x3b: {  	_ = 	snop  }
0x3c: {  	p2 =	seq.s32 s10, $0x1;
	s10 =	sld [smem:$0x3FB8]  }
0x3d: {  	_ =	shalt  }
0x3e: {  	_ =	shalt  }
0x3f: {  	_ =	shalt  }
0x40: {  	_ =	shalt  }
0x41: {  	_ =	shalt  }
0x42: {  	_ =	shalt  }
0x43: {  	_ =	shalt  }
0x44: {  	_ =	shalt  }
0x45: {  	_ =	shalt  }
0x46: {  	_ =	shalt  }
0x47: {  	_ =	shalt  }
0x48: {  	_ =	shalt  }
0x49: {  	_ =	shalt  }
0x4a: {  	_ =	shalt  }
0x4b: {  	_ =	shalt  }
0x4c: {  	_ =	shalt  }
0x4d: {  	_ =	shalt  }
0x4e: {  	_ =	shalt  }
0x4f: {  	_ =	shalt  }
0x50: {  	_ =	shalt  }
0x51: {  	_ =	shalt  }
0x52: {  	_ =	shalt  }
0x53: {  	_ =	shalt  }
0x54: {  	_ =	shalt  }
0x55: {  	_ =	shalt  }
0x56: {  	_ =	shalt  }
0x57: {  	_ =	shalt  }
0x58: {  	_ =	shalt  }
0x59: {  	_ =	shalt  }
0x5a: {  	_ =	shalt  }
0x5b: {  	_ =	shalt  }
0x5c: {  	_ =	shalt  }
0x5d: {  	_ =	shalt  }
0x5e: {  	_ =	shalt  }
0x5f: {  	_ =	shalt  }
0x60: {  	_ =	shalt  }
0x61: {  	_ =	shalt  }
0x62: {  	_ =	shalt  }
0x63: {  	_ =	shalt  }
0x64: {  	_ =	shalt  }
0x65: {  	_ =	shalt  }
0x66: {  	_ =	shalt  }
0x67: {  	_ =	shalt  }
0x68: {  	_ =	shalt  }
0x69: {  	_ =	shalt  }
0x6a: {  	_ =	shalt  }
0x6b: {  	_ =	shalt  }
0x6c: {  	_ =	shalt  }
0x6d: {  	_ =	shalt  }
0x6e: {  	_ =	shalt  }
0x6f: {  	_ =	shalt  }
0x70: {  	_ =	shalt  }
0x71: {  	_ =	shalt  }
0x72: {  	_ =	shalt  }
0x73: {  	_ =	shalt  }
0x74: {  	_ =	shalt  }
0x75: {  	_ =	shalt  }
0x76: {  	_ =	shalt  }
0x77: {  	_ =	shalt  }
0x78: {  	_ =	shalt  }
0x79: {  	_ =	shalt  }
0x7a: {  	_ =	shalt  }
0x7b: {  	_ =	shalt  }
0x7c: {  	_ =	shalt  }
0x7d: {  	_ =	shalt  }
0x7e: {  	_ =	shalt  }
0x7f: {  	_ =	shalt  }
0x80: {  	_ =	shalt  }
0x81: {  	_ =	shalt  }
0x82: {  	_ =	shalt  }
0x83: {  	_ =	shalt  }
0x84: {  	_ =	shalt  }
0x85: {  	_ =	shalt  }
0x86: {  	_ =	shalt  }
0x87: {  	_ =	shalt  }
.Lfunc_end0:
.L_simem_size_0:
called_computation.1_lowered:
.L_overlay_start_0:
0x88: {  	s2 =	sld [smem:$0x3FD9]  }
0x89: {  	s3 =	sld [smem:$0x3FFE];
	_ =	sdelay $0x1  }
0x8a: {  	s1 =	srdreg.scid  }
0x8b: {  	s0 =	sand.u32 $0x1, s1  }
0x8c: {  	s17 =	sshll.u32 s0, $0xA;
	s2 =	sadd.s32 s3, s2  }
0x8d: {  	s2 =	sadd.s32 s2, s17  }
0x8e: {  	[smem:$0x3FC4] =	sst s2  }
0x8f: {  	_ = 	snop  }
0x90: {  	s2 =	sld [smem:$0x3FD0];
	(tm) =	ssettm $0x1  }
0x91: {  	s18 =	sld [smem:$0x3FFB];
	_ =	sdelay $0x3  }
0x92: {  	_ =	strace s18  }
0x93: {  	s3 =	sld [smem:$0x3FFC];
	_ =	sdelay $0x3  }
0x94: {  	_ =	strace s3  }
0x95: {  	s3 =	sld [smem:$0x3FFD];
	_ =	sdelay $0x3  }
0x96: {  	_ =	strace s3  }
0x97: {  	_ =	strace $0x8FFFFFFF  }
0x98: {  	s19 =	sld [smem:$0x3FDB];
	_ =	sdelay $0x1  }
0x99: {  	s4 =	simm.s32 $_scs_section_size  }
0x9a: {  	s5 =	simm.s32 $_size__tile_overlayer_lowered;
	s6 =	simm.s32 $_tile_overlayer_lowered  }
0x9b: {  	s22 =	simm.s32 $0x1BFF;
	s21 =	sshll.u32 s6, $0x1;
	s3 =	sadd.s32 s4, s19  }
0x9c: {  	s7 =	simm.s32 $0x0;
	s20 =	sshll.u32 s5, $0x1;
	s5 =	sadd.s32 s21, s3  }
0x9d: {  	[timem:s7], [sflag:s22] =	dma.local [hbm:s5], s20  }
0x9e: {  	_ =	swait.ge [sflag:s22], s20  }
0x9f: {  	s4 =	ssub.s32 $0x0, s20;
	[sflag:s22] =	ssyncset.done $0x0  }
0xa0: {  	[sflag:s22] =	ssyncadd.s32 s4;
	_ =	sdelay $0x1  }
0xa1: {  	s23 =	simm.s32 $0x1B8B  }
0xa2: {  	_ =	swait.ge [sflag:s23], $0x1  }
0xa3: {  	[sflag:s23] =	ssyncset.done $0x0  }
0xa4: {  	s25 =	simm.s32 $0x1B8E;
	s24 =	sld [smem:$0x3FFE];
	[sflag:s23] =	ssyncadd.s32 $0xFFFFFFFF  }
0xa5: {  	s26 =	simm.s32 $execute0_lowered;
	[smem:$0x3FD2] =	sst s25  }
0xa6: {  	s5 =	sshll.u32 s26, $0x1;
	_ =	strace $0x80000049;
	[dreg:$0x1] =	wrdreg $0xFFFFFFFF  }
0xa7: {  	s28 =	simm.s32 $_size_execute0_lowered;
	s3 =	sadd.s32 s3, s5;
	[dreg:$0x0] =	wrdreg $0x0  }
0xa8: {  	s5 =	sshll.u32 s28, $0x1;
	[dreg:$0x2] =	wrdreg s3  }
0xa9: {  	[dreg:$0x3] =	wrdreg s5  }
0xaa: {  	[dreg:$0x4] =	wrdreg $0xC0  }
0xab: {  	_ =	task [dreg:s7], $0x5FFFF  }
0xac: {  	[dreg:$0x1] =	wrdreg $0xFFFFFFFF  }
0xad: {  	[dreg:$0x0] =	wrdreg $0x60  }
0xae: {  	[dreg:$0x2] =	wrdreg s24  }
0xaf: {  	[dreg:$0x3] =	wrdreg s2  }
0xb0: {  	[dreg:$0x4] =	wrdreg $0x0  }
0xb1: {  	[dreg:$0x5] =	wrdreg $0x9  }
0xb2: {  	_ =	task.clear_ibuf [dreg:s7], $0x6FFFF;
	_ =	strace $0x90000049  }
0xb3: {  	s29 =	simm.s32 $0x9;
	_ =	strace $0x8000004B  }
0xb4: {  	_ =	swait.ge [sflag:s29], $0x1  }
0xb5: {  	[sflag:s29] =	ssyncadd.s32 $0xFFFFFFFF  }
0xb6: {  	_ =	strace $0x9000004B  }
0xb7: {  	_ =	sfence  }
0xb8: {  	s30 =	sld [smem:$0x0];
	_ =	sdelay $0x2  }
0xb9: {  	s31 =	sshll.u32 s1, $0xD;
	s1 =	sshrl.u32 s1, $0x2  }
0xba: {  	s3 =	sand.u32 $0x4000, s31;
	s1 =	sadd.s32 s1, s30  }
0xbb: {  	s0 =	sor.u32 s3, s0;
	s1 =	sshll.u32 s1, $0x11  }
0xbc: {  	s0 =	sor.u32 s1, s0  }
0xbd: {  	s0 =	sadd.s32 $0x8F2B, s0  }
0xbe: {  	[sflag:s0] =	ssyncadd.remote.s32 $0x1  }
0xbf: {  	_ =	sfence.sel $0xFFFF  }
0xc0: {  	[dreg:$0x0] =	wrdreg $0xFFFFFFFF;
	(pc) =	sbr.abs _section_cstart, $3  }
0xc1: {  	[dreg:$0x1] =	wrdreg $0xFFFFFFFF  }
0xc2: {  	_ =	task.clear_ibuf [dreg:s7], $0x2FFFF;
	_ =	strace $0x9FFFFFFF  }
0xc3: {  	(tm) =	ssettm $0x7FFFFFFF  }
tec
execute0_lowered:
.L_overlay_start_1:
0x0: {  	(tag) =	ssettag $0x1  }
0x1: {  	s0 =	rddreg [dreg:$0x0]  }
0x2: {  	s1 =	rddreg [dreg:$0x1]  }
0x3: {  	s2 =	rddreg [dreg:$0x2];
	s3 =	simm.s32 $0x0;
	s4 =	srdreg.scid  }
0x4: {  	s6 =	stileid.u32;
	s30 =	simm.s32 $0x5;
	s31 =	simm.s32 $0x13880  }
0x5: {  	[smem:$0x7FF] =	sst s3;
	s4 =	sand.u32 $0x1, s4;
	s8 =	smul.u32 $0x2700, s6  }
0x6: {  	s7 =	sadd.s32 $0x5E00, s0;
	s9 =	sadd.s32 $0xE00, s0;
	s11 =	smul.u32 $0x4E000, s6  }
0x7: {  	s13 =	sadd.s32 $0x36E00, s0;
	s20 =	sshll.u32 s6, $0x6;
	s15 =	smul.u32 $0x32000, s6  }
0x8: {  	s16 =	sadd.s32 $0x36C00, s0;
	s17 =	smul.u32 $0x320, s6;
	s28 =	sadd.s32 $0x5C00, s0  }
0x9: {  	p0 =	sne.s32 s6, $0x0;
	p1 =	sgt.u32 s6, $0x8;
	_ =	strace $0x8000004A  }
0xa: {  	s5 =	ssub.s32 $0x2, s4;
	s14 =	smul.u32 $0x27100, s4;
	[dreg:$0x5] =	wrdreg s16  }
0xb: {  	s4 =	smul.u32 $0x190, s4;
	[dreg:$0x6] =	wrdreg s28;
	s10 =	sshrl.u32 s5, $0x1  }
0xc: {  	s12 =	sadd.s32 s8, s0;
	s19 =	sshrl.u32 s11, $0x2;
	s11 =	sadd.s32 $0x138000, s2  }
0xd: {  	s15 =	sshrl.u32 s15, $0x2;
	s0 =	sadd.s32 $0x5C10, s0;
	s10 =	ssub.s32 s5, s10  }
0xe: {  	s18 =	sadd.s32 s19, s2;
	s21 =	sadd.s32 $0xFC00, s12;
	s5 =	sor.u32 $0x1C05, s20  }
0xf: {  	s12 =	sadd.s32 s8, s14;
	s8 =	sshrl.u32 s8, $0x3;
	s19 =	sor.u32 $0x10, s6  }
0x10: {  	s25 =	sadd.s32 s4, s17;
	s24 =	sadd.s32 s15, s2;
	[dreg:$0xf] =	wrdreg s0  }
0x11: {  	s0 =	sshrl.u32 @!p0 s11, $0x3;
	s11 =	simm.s32 $0x17A80;
	[dreg:$0x4] =	wrdreg s21  }
0x12: {  	s22 =	sshrl.u32 s12, $0x3;
	s21 =	sadd.s32 s9, s8;
	s23 =	smul.u32 $0x32000, s19  }
0x13: {  	s26 =	smul.u32 $0x320, s19;
	[dreg:$0x11] =	wrdreg s0;
	s20 =	sadd.s32 s7, s22  }
0x14: {  	s22 =	sshll.u32 s25, $0x4;
	s25 =	smax.u32 s10, $0x1;
	s28 =	sadd.s32 $0x10, s21  }
0x15: {  	s10 =	sshrl.u32 s14, $0x3;
	s29 =	sadd.s32 $0x4D0, s21;
	s15 =	sadd.s32 s13, s22  }
0x16: {  	s8 =	sshrl.u32 s23, $0x2;
	s4 =	sadd.s32 s4, s26;
	[dreg:$0x9] =	wrdreg s25  }
0x17: {  	s23 =	smul.u32 $0x4E0, s6;
	s26 =	sadd.s32 $0x10, s20;
	[dreg:$0xb] =	wrdreg s28  }
0x18: {  	s14 =	sadd.s32 $0x20, s20;
	s25 =	sshrl.u32 s24, $0x3;
	[dreg:$0x7] =	wrdreg s15  }
0x19: {  	s28 =	sadd.s32 $0x4D0, s20;
	s6 =	simm.s32 $0x13A80;
	[dreg:$0xa] =	wrdreg s26  }
0x1a: {  	s8 =	sadd.s32 s8, s2;
	s4 =	sshll.u32 s4, $0x4;
	[dreg:$0xc] =	wrdreg s14  }
0x1b: {  	[dreg:$0x12] =	wrdreg s25;
	s26 =	sadd.s32 $0x20, s21;
	s25 =	smov.u32 s20  }
0x1c: {  	[dreg:$0x15] =	wrdreg s28;
	s14 =	simm.s32 $0x2;
	s4 =	sadd.s32 s13, s4  }
0x1d: {  	s15 =	sadd.s32 s23, s9;
	s9 =	sadd.s32 $0x180, s12;
	s12 =	sadd.s32 $0x200, s12  }
0x1e: {  	s23 =	sshrl.u32 s18, $0x3;
	s0 =	sshrl.u32 @!p1 s8, $0x3;
	[dreg:$0x14] =	wrdreg s26  }
0x1f: {  	s26 =	smov.u32 s21;
	s8 =	simm.s32 $0x0;
	[dreg:$0x8] =	wrdreg s4  }
0x20: {  	s4 =	sshrl.u32 s9, $0x3;
	s9 =	sadd.s32 s7, s10;
	[dreg:$0x10] =	wrdreg s23  }
0x21: {  	s13 =	sshrl.u32 s12, $0x3;
	[dreg:$0x13] =	wrdreg s0;
	s0 =	simm.s32 $0x13980  }
0x22: {  	s10 =	simm.s32 $0x13A00;
	s12 =	simm.s32 $0x1;
	s16 =	sadd.s32 s4, s7  }
0x23: {  	s17 =	sadd.s32 s13, s7;
	s19 =	sadd.s32 $0x4E00, s9;
	s22 =	sadd.s32 $0x4E10, s9  }
0x24: {  	s4 =	simm.s32 $0x80;
	s9 =	simm.s32 $0x13900;
	[dreg:$0xd] =	wrdreg s19  }
0x25: {  	s13 =	simm.s32 $0x3;
	s7 =	simm.s32 $0x4;
	[dreg:$0xe] =	wrdreg s22  }
.LBB2_1:
0x26: {  	s18 =	rddreg [dreg:$0x4]  }
0x27: {  	s19 =	rddreg [dreg:$0x10]  }
0x28: {  	[spmem:s19], [sflag:s5] =	dma.local [hbm:s18], $0x2700  }
0x29: {  	_ =	swait.ge [sflag:s30], $0x2700  }
0x2a: {  	[sflag:s30] =	ssyncset.done $0x0;
	s18 =	rddreg [dreg:$0x5]  }
0x2b: {  	s19 =	rddreg [dreg:$0x11];
	[sflag:s30] =	ssyncadd.s32 $0xFFFFD900  }
0x2c: {  	[spmem:s19], [sflag:s5] =	dma.local @!p0 [hbm:s18], $0x100  }
0x2d: {  	s18 =	simm.s32 @!p0 $0x5  }
0x2e: {  	_ =	swait.ge @!p0 [sflag:s18], $0x100  }
0x2f: {  	[sflag:s18] =	ssyncset.done @!p0 $0x0  }
0x30: {  	[sflag:s18] =	ssyncadd.s32 @!p0 $0xFFFFFF00  }
0x31: {  	[bflag:$0x0] =	sbarrier.arrive $0xFFFF  }
0x32: {  	[tilespmem:s31], [sflag:$0x5] =	stream.linear.gather [hbm4b:s25+s3], $0x80, $0x38;
	[tilespmem:$0x1BA80] =	vst v63  }
0x33: {  	_ =	swait.ge [sflag:s30], $0x80  }
0x34: {  	[sflag:s30] =	ssyncset.done $0x0  }
0x35: {  	[sflag:s30] =	ssyncadd.s32 $0xFFFFFF80  }
0x36: {  	[tilespmem:s0], [sflag:$0x5] =	stream.linear.gather [hbm4b:s26+s3], $0x80, $0x38;
	[tilespmem:$0x1BA80] =	vst v63  }
0x37: {  	_ =	swait.ge [sflag:s30], $0x80  }
0x38: {  	[sflag:s30] =	ssyncset.done $0x0  }
0x39: {  	[sflag:s30] =	ssyncadd.s32 $0xFFFFFF80  }
0x3a: {  	[tilespmem:s6], [sflag:$0x1] =	stream.indirect.gather [hbm4b:s1+s4], $0x80, s31, s4, $0xb8;
	[tilespmem:$0x1BA80] =	vst v63  }
0x3b: {  	s28 =	rddreg [dreg:$0xa]  }
0x3c: {  	[tilespmem:s9], [sflag:$0x5] =	stream.linear.gather [hbm4b:s28+s3], $0x80, $0x38;
	[tilespmem:$0x1BA80] =	vst v63  }
0x3d: {  	_ =	swait.ge [sflag:s30], $0x80  }
0x3e: {  	[sflag:s30] =	ssyncset.done $0x0  }
0x3f: {  	s19 =	rddreg [dreg:$0xb];
	[sflag:s30] =	ssyncadd.s32 $0xFFFFFF80  }
0x40: {  	[tilespmem:s10], [sflag:$0x5] =	stream.linear.gather [hbm4b:s19+s3], $0x80, $0x38;
	[tilespmem:$0x1BA80] =	vst v63  }
0x41: {  	_ =	swait.ge [sflag:s30], $0x80  }
0x42: {  	[sflag:s30] =	ssyncset.done $0x0  }
0x43: {  	[sflag:s30] =	ssyncadd.s32 $0xFFFFFF80  }
0x44: {  	[tilespmem:s11], [sflag:$0x2] =	stream.indirect.gather [hbm4b:s1+s4], $0x80, s9, s4, $0xb8;
	[tilespmem:$0x1BA80] =	vst v63  }
0x45: {  	_ =	swait.ge [sflag:s12], $0x4000  }
0x46: {  	[sflag:s12] =	ssyncset.done $0x0  }
0x47: {  	[sflag:s12] =	ssyncadd.s32 $0xFFFFC000  }
0x48: {  	[spmem:s2] =	stream.indirect.scatter.add.f32 [tilespmem:s6], [sflag:$0x3], $0x80, s0, s4, $0xb8;
	[tilespmem:$0x1BA80] =	vst v63  }
0x49: {  	_ =	swait.ge [sflag:s13], $0x4000  }
0x4a: {  	[sflag:s13] =	ssyncset.done $0x0  }
0x4b: {  	s20 =	rddreg [dreg:$0xc];
	[sflag:s13] =	ssyncadd.s32 $0xFFFFC000  }
0x4c: {  	[tilespmem:s31], [sflag:$0x5] =	stream.linear.gather [hbm4b:s20+s3], $0x80, $0x38;
	[tilespmem:$0x1BA80] =	vst v63  }
0x4d: {  	_ =	swait.ge [sflag:s30], $0x80  }
0x4e: {  	[sflag:s30] =	ssyncset.done $0x0  }
0x4f: {  	s21 =	rddreg [dreg:$0x14];
	[sflag:s30] =	ssyncadd.s32 $0xFFFFFF80  }
0x50: {  	[tilespmem:s0], [sflag:$0x5] =	stream.linear.gather [hbm4b:s21+s3], $0x80, $0x38;
	[tilespmem:$0x1BA80] =	vst v63  }
0x51: {  	_ =	swait.ge [sflag:s30], $0x80  }
0x52: {  	[sflag:s30] =	ssyncset.done $0x0  }
0x53: {  	[sflag:s30] =	ssyncadd.s32 $0xFFFFFF80  }
0x54: {  	[tilespmem:s6], [sflag:$0x1] =	stream.indirect.gather [hbm4b:s1+s4], $0x80, s31, s4, $0xb8;
	[tilespmem:$0x1BA80] =	vst v63  }
0x55: {  	_ =	swait.ge [sflag:s14], $0x4000  }
0x56: {  	[sflag:s14] =	ssyncset.done $0x0  }
0x57: {  	[sflag:s14] =	ssyncadd.s32 $0xFFFFC000  }
0x58: {  	[spmem:s2] =	stream.indirect.scatter.add.f32 [tilespmem:s11], [sflag:$0x4], $0x80, s10, s4, $0xb8;
	[tilespmem:$0x1BA80] =	vst v63  }
0x59: {  	_ =	swait.ge [sflag:s7], $0x4000  }
0x5a: {  	[sflag:s7] =	ssyncset.done $0x0  }
0x5b: {  	s22 =	sadd.s32 $0x0, s16;
	[sflag:s7] =	ssyncadd.s32 $0xFFFFC000  }
0x5c: {  	[tilespmem:s9], [sflag:$0x5] =	stream.linear.gather [hbm4b:s22+s3], $0x80, $0x38;
	[tilespmem:$0x1BA80] =	vst v63  }
0x5d: {  	_ =	swait.ge [sflag:s30], $0x80  }
0x5e: {  	s23 =	sadd.s32 $0x0, s15;
	[sflag:s30] =	ssyncset.done $0x0  }
0x5f: {  	s24 =	sadd.s32 $0x30, s23;
	[sflag:s30] =	ssyncadd.s32 $0xFFFFFF80  }
0x60: {  	[tilespmem:s10], [sflag:$0x5] =	stream.linear.gather [hbm4b:s24+s3], $0x80, $0x38;
	[tilespmem:$0x1BA80] =	vst v63  }
0x61: {  	_ =	swait.ge [sflag:s30], $0x80  }
0x62: {  	[sflag:s30] =	ssyncset.done $0x0  }
0x63: {  	[sflag:s30] =	ssyncadd.s32 $0xFFFFFF80  }
0x64: {  	[tilespmem:s11], [sflag:$0x2] =	stream.indirect.gather [hbm4b:s1+s4], $0x80, s9, s4, $0xb8;
	[tilespmem:$0x1BA80] =	vst v63  }
0x65: {  	_ =	swait.ge [sflag:s12], $0x4000  }
0x66: {  	[sflag:s12] =	ssyncset.done $0x0  }
0x67: {  	[sflag:s12] =	ssyncadd.s32 $0xFFFFC000  }
0x68: {  	[spmem:s2] =	stream.indirect.scatter.add.f32 [tilespmem:s6], [sflag:$0x3], $0x80, s0, s4, $0xb8;
	[tilespmem:$0x1BA80] =	vst v63  }
0x69: {  	_ =	swait.ge [sflag:s13], $0x4000  }
0x6a: {  	[sflag:s13] =	ssyncset.done $0x0  }
0x6b: {  	s28 =	sadd.s32 $0x0, s17;
	[sflag:s13] =	ssyncadd.s32 $0xFFFFC000  }
0x6c: {  	[tilespmem:s31], [sflag:$0x5] =	stream.linear.gather [hbm4b:s28+s3], $0x80, $0x38;
	[tilespmem:$0x1BA80] =	vst v63  }
0x6d: {  	_ =	swait.ge [sflag:s30], $0x80  }
0x6e: {  	[sflag:s30] =	ssyncset.done $0x0  }
0x6f: {  	s18 =	sadd.s32 $0x40, s23;
	[sflag:s30] =	ssyncadd.s32 $0xFFFFFF80  }
0x70: {  	[tilespmem:s0], [sflag:$0x5] =	stream.linear.gather [hbm4b:s18+s3], $0x80, $0x38;
	[tilespmem:$0x1BA80] =	vst v63  }
0x71: {  	_ =	swait.ge [sflag:s30], $0x80  }
0x72: {  	[sflag:s30] =	ssyncset.done $0x0  }
0x73: {  	[sflag:s30] =	ssyncadd.s32 $0xFFFFFF80  }
0x74: {  	[tilespmem:s6], [sflag:$0x1] =	stream.indirect.gather [hbm4b:s1+s4], $0x80, s31, s4, $0xb8;
	[tilespmem:$0x1BA80] =	vst v63  }
0x75: {  	_ =	swait.ge [sflag:s14], $0x4000  }
0x76: {  	[sflag:s14] =	ssyncset.done $0x0  }
0x77: {  	s18 =	simm.s32 $0x20;
	[sflag:s14] =	ssyncadd.s32 $0xFFFFC000  }
.LBB2_2:
0x78: {  	[spmem:s2] =	stream.indirect.scatter.add.f32 [tilespmem:s11], [sflag:$0x4], $0x80, s10, s4, $0xb8;
	[tilespmem:$0x1BA80] =	vst v63  }
0x79: {  	s19 =	smov.u32 s18  }
0x7a: {  	p2 =	sne.s32 s18, $0x480;
	s18 =	sadd.s32 $0x20, s18;
	_ =	swait.ge [sflag:s7], $0x4000  }
0x7b: {  	[sflag:s7] =	ssyncset.done $0x0  }
0x7c: {  	s20 =	sadd.s32 s19, s16;
	[sflag:s7] =	ssyncadd.s32 $0xFFFFC000  }
0x7d: {  	[tilespmem:s9], [sflag:$0x5] =	stream.linear.gather [hbm4b:s20+s3], $0x80, $0x38;
	[tilespmem:$0x1BA80] =	vst v63  }
0x7e: {  	_ =	swait.ge [sflag:s30], $0x80  }
0x7f: {  	s20 =	sadd.s32 s19, s15;
	[sflag:s30] =	ssyncset.done $0x0  }
0x80: {  	s21 =	sadd.s32 $0x30, s20;
	[sflag:s30] =	ssyncadd.s32 $0xFFFFFF80  }
0x81: {  	[tilespmem:s10], [sflag:$0x5] =	stream.linear.gather [hbm4b:s21+s3], $0x80, $0x38;
	[tilespmem:$0x1BA80] =	vst v63  }
0x82: {  	_ =	swait.ge [sflag:s30], $0x80  }
0x83: {  	[sflag:s30] =	ssyncset.done $0x0  }
0x84: {  	[sflag:s30] =	ssyncadd.s32 $0xFFFFFF80  }
0x85: {  	[tilespmem:s11], [sflag:$0x2] =	stream.indirect.gather [hbm4b:s1+s4], $0x80, s9, s4, $0xb8;
	[tilespmem:$0x1BA80] =	vst v63  }
0x86: {  	_ =	swait.ge [sflag:s12], $0x4000  }
0x87: {  	[sflag:s12] =	ssyncset.done $0x0  }
0x88: {  	[sflag:s12] =	ssyncadd.s32 $0xFFFFC000  }
0x89: {  	[spmem:s2] =	stream.indirect.scatter.add.f32 [tilespmem:s6], [sflag:$0x3], $0x80, s0, s4, $0xb8;
	[tilespmem:$0x1BA80] =	vst v63  }
0x8a: {  	_ =	swait.ge [sflag:s13], $0x4000  }
0x8b: {  	[sflag:s13] =	ssyncset.done $0x0  }
0x8c: {  	s19 =	sadd.s32 s19, s17;
	[sflag:s13] =	ssyncadd.s32 $0xFFFFC000  }
0x8d: {  	[tilespmem:s31], [sflag:$0x5] =	stream.linear.gather [hbm4b:s19+s3], $0x80, $0x38;
	[tilespmem:$0x1BA80] =	vst v63  }
0x8e: {  	_ =	swait.ge [sflag:s30], $0x80  }
0x8f: {  	[sflag:s30] =	ssyncset.done $0x0  }
0x90: {  	s19 =	sadd.s32 $0x40, s20;
	[sflag:s30] =	ssyncadd.s32 $0xFFFFFF80  }
0x91: {  	[tilespmem:s0], [sflag:$0x5] =	stream.linear.gather [hbm4b:s19+s3], $0x80, $0x38;
	[tilespmem:$0x1BA80] =	vst v63  }
0x92: {  	_ =	swait.ge [sflag:s30], $0x80  }
0x93: {  	[sflag:s30] =	ssyncset.done $0x0  }
.Ltmp0:
0x94: {  	[sflag:s30] =	ssyncadd.s32 $0xFFFFFF80;
	(pc) =	sbr.rel @p2 .LBB2_2-.Ltmp0, $4  }
0x95: {  	[tilespmem:s6], [sflag:$0x1] =	stream.indirect.gather [hbm4b:s1+s4], $0x80, s31, s4, $0xb8;
	[tilespmem:$0x1BA80] =	vst v63  }
0x96: {  	_ =	swait.ge [sflag:s14], $0x4000  }
0x97: {  	[sflag:s14] =	ssyncset.done $0x0  }
0x98: {  	[sflag:s14] =	ssyncadd.s32 $0xFFFFC000  }
0x99: {  	[spmem:s2] =	stream.indirect.scatter.add.f32 [tilespmem:s11], [sflag:$0x4], $0x80, s10, s4, $0xb8;
	[tilespmem:$0x1BA80] =	vst v63  }
0x9a: {  	_ =	swait.ge [sflag:s7], $0x4000  }
0x9b: {  	[sflag:s7] =	ssyncset.done $0x0  }
0x9c: {  	s18 =	rddreg [dreg:$0x15];
	[sflag:s7] =	ssyncadd.s32 $0xFFFFC000  }
0x9d: {  	[tilespmem:s9], [sflag:$0x5] =	stream.linear.gather [hbm4b:s18+s3], $0x80, $0x38;
	[tilespmem:$0x1BA80] =	vst v63  }
0x9e: {  	_ =	swait.ge [sflag:s30], $0x80  }
0x9f: {  	[sflag:s30] =	ssyncset.done $0x0  }
0xa0: {  	[sflag:s30] =	ssyncadd.s32 $0xFFFFFF80  }
0xa1: {  	[tilespmem:s10], [sflag:$0x5] =	stream.linear.gather [hbm4b:s29+s3], $0x80, $0x38;
	[tilespmem:$0x1BA80] =	vst v63  }
0xa2: {  	_ =	swait.ge [sflag:s30], $0x80  }
0xa3: {  	[sflag:s30] =	ssyncset.done $0x0  }
0xa4: {  	[sflag:s30] =	ssyncadd.s32 $0xFFFFFF80  }
0xa5: {  	[tilespmem:s11], [sflag:$0x2] =	stream.indirect.gather [hbm4b:s1+s4], $0x80, s9, s4, $0xb8;
	[tilespmem:$0x1BA80] =	vst v63  }
0xa6: {  	_ =	swait.ge [sflag:s12], $0x4000  }
0xa7: {  	[sflag:s12] =	ssyncset.done $0x0  }
0xa8: {  	[sflag:s12] =	ssyncadd.s32 $0xFFFFC000  }
0xa9: {  	[spmem:s2] =	stream.indirect.scatter.add.f32 [tilespmem:s6], [sflag:$0x3], $0x80, s0, s4, $0xb8;
	[tilespmem:$0x1BA80] =	vst v63  }
0xaa: {  	_ =	swait.ge [sflag:s14], $0x4000  }
0xab: {  	[sflag:s14] =	ssyncset.done $0x0  }
0xac: {  	[sflag:s14] =	ssyncadd.s32 $0xFFFFC000  }
0xad: {  	[spmem:s2] =	stream.indirect.scatter.add.f32 [tilespmem:s11], [sflag:$0x4], $0x80, s10, s4, $0xb8;
	[tilespmem:$0x1BA80] =	vst v63  }
0xae: {  	_ =	swait.ge [sflag:s13], $0x4000  }
0xaf: {  	[sflag:s13] =	ssyncset.done $0x0  }
0xb0: {  	[sflag:s13] =	ssyncadd.s32 $0xFFFFC000  }
0xb1: {  	_ =	swait.ge [sflag:s7], $0x4000  }
0xb2: {  	s19 =	simm.s32 @!p0 $0x13880;
	[sflag:s7] =	ssyncset.done $0x0  }
0xb3: {  	s18 =	simm.s32 @!p0 $0x0;
	s20 =	rddreg [dreg:$0xd];
	[sflag:s7] =	ssyncadd.s32 $0xFFFFC000  }
0xb4: {  	[tilespmem:s19], [sflag:$0x5] =	stream.linear.gather @!p0 [hbm4b:s20+s18], $0x80, $0x38;
	[tilespmem:$0x1BA80] =	vst v63  }
0xb5: {  	s20 =	simm.s32 @!p0 $0x5  }
0xb6: {  	_ =	swait.ge @!p0 [sflag:s20], $0x80  }
0xb7: {  	[sflag:s20] =	ssyncset.done @!p0 $0x0  }
0xb8: {  	s21 =	simm.s32 @!p0 $0x13980;
	s22 =	rddreg [dreg:$0x6];
	[sflag:s20] =	ssyncadd.s32 @!p0 $0xFFFFFF80  }
0xb9: {  	[tilespmem:s21], [sflag:$0x5] =	stream.linear.gather @!p0 [hbm4b:s22+s18], $0x80, $0x38;
	[tilespmem:$0x1BA80] =	vst v63  }
0xba: {  	_ =	swait.ge @!p0 [sflag:s20], $0x80  }
0xbb: {  	s23 =	simm.s32 @!p0 $0x13A80;
	[sflag:s20] =	ssyncset.done @!p0 $0x0  }
0xbc: {  	s24 =	simm.s32 @!p0 $0x1;
	s22 =	simm.s32 @!p0 $0x80;
	[sflag:s20] =	ssyncadd.s32 @!p0 $0xFFFFFF80  }
0xbd: {  	[tilespmem:s23], [sflag:$0x1] =	stream.indirect.gather @!p0 [hbm4b:s1+s22], $0x80, s19, s22, $0xb8;
	[tilespmem:$0x1BA80] =	vst v63  }
0xbe: {  	_ =	swait.ge @!p0 [sflag:s24], $0x4000  }
0xbf: {  	[sflag:s24] =	ssyncset.done @!p0 $0x0  }
0xc0: {  	[sflag:s24] =	ssyncadd.s32 @!p0 $0xFFFFC000  }
0xc1: {  	[spmem:s2] =	stream.indirect.scatter.add.f32 @!p0 [tilespmem:s23], [sflag:$0x5], $0x80, s21, s22, $0xb8;
	[tilespmem:$0x1BA80] =	vst v63  }
0xc2: {  	_ =	swait.ge @!p0 [sflag:s20], $0x4000  }
0xc3: {  	[sflag:s20] =	ssyncset.done @!p0 $0x0  }
0xc4: {  	s28 =	rddreg [dreg:$0xe];
	[sflag:s20] =	ssyncadd.s32 @!p0 $0xFFFFC000  }
0xc5: {  	[tilespmem:s19], [sflag:$0x5] =	stream.linear.gather @!p0 [hbm4b:s28+s18], $0x80, $0x38;
	[tilespmem:$0x1BA80] =	vst v63  }
0xc6: {  	_ =	swait.ge @!p0 [sflag:s20], $0x80  }
0xc7: {  	[sflag:s20] =	ssyncset.done @!p0 $0x0  }
0xc8: {  	s28 =	rddreg [dreg:$0xf];
	[sflag:s20] =	ssyncadd.s32 @!p0 $0xFFFFFF80  }
0xc9: {  	[tilespmem:s21], [sflag:$0x5] =	stream.linear.gather @!p0 [hbm4b:s28+s18], $0x80, $0x38;
	[tilespmem:$0x1BA80] =	vst v63  }
0xca: {  	_ =	swait.ge @!p0 [sflag:s20], $0x80  }
0xcb: {  	[sflag:s20] =	ssyncset.done @!p0 $0x0  }
0xcc: {  	[sflag:s20] =	ssyncadd.s32 @!p0 $0xFFFFFF80  }
0xcd: {  	[tilespmem:s23], [sflag:$0x1] =	stream.indirect.gather @!p0 [hbm4b:s1+s22], $0x80, s19, s22, $0xb8;
	[tilespmem:$0x1BA80] =	vst v63  }
0xce: {  	_ =	swait.ge @!p0 [sflag:s24], $0x4000  }
0xcf: {  	[sflag:s24] =	ssyncset.done @!p0 $0x0  }
0xd0: {  	[sflag:s24] =	ssyncadd.s32 @!p0 $0xFFFFC000  }
0xd1: {  	[spmem:s2] =	stream.indirect.scatter.add.f32 @!p0 [tilespmem:s23], [sflag:$0x5], $0x80, s21, s22, $0xb8;
	[tilespmem:$0x1BA80] =	vst v63  }
0xd2: {  	_ =	swait.ge @!p0 [sflag:s20], $0x4000  }
0xd3: {  	[sflag:s20] =	ssyncset.done @!p0 $0x0  }
0xd4: {  	[sflag:s20] =	ssyncadd.s32 @!p0 $0xFFFFC000  }
0xd5: {  	[bflag:$0x0] =	sbarrier.arrive $0xFFFF  }
0xd6: {  	s23 =	rddreg [dreg:$0x7]  }
0xd7: {  	s24 =	rddreg [dreg:$0x12]  }
0xd8: {  	[hbm:s23], [sflag:s5] =	dma.local [spmem:s24], $0x1900  }
0xd9: {  	_ =	swait.ge [sflag:s30], $0x1900  }
0xda: {  	[sflag:s30] =	ssyncset.done $0x0;
	s18 =	rddreg [dreg:$0x8]  }
0xdb: {  	s19 =	rddreg [dreg:$0x13];
	[sflag:s30] =	ssyncadd.s32 $0xFFFFE700  }
0xdc: {  	[hbm:s18], [sflag:s5] =	dma.local @!p1 [spmem:s19], $0x1900  }
0xdd: {  	s18 =	simm.s32 @!p1 $0x5  }
0xde: {  	_ =	swait.ge @!p1 [sflag:s18], $0x1900  }
0xdf: {  	s8 =	sadd.s32 $0x1, s8;
	s28 =	rddreg [dreg:$0x9]  }
0xe0: {  	p2 =	sne.s32 s8, s28  }
.Ltmp1:
0xe1: {  	_ = 	snop;
	(pc) =	sbr.rel @p2 .LBB2_1-.Ltmp1, $3  }
0xe2: {  	_ =	sdelay $0x1  }
0xe3: {  	[sflag:s18] =	ssyncset.done @!p1 $0x0  }
0xe4: {  	[sflag:s18] =	ssyncadd.s32 @!p1 $0xFFFFE700  }
0xe5: {  	_ =	sfence.sel $0x180000  }
0xe6: {  	[bflag:$0x0] =	sbarrier.arrive $0xFFFF  }
0xe7: {  	_ =	strace $0x9000004A  }
0xe8: {  	[bflag:$0x2] =	sbarrier.arrive $0xFFFF  }
0xe9: {  	s0 =	rddreg [dreg:$0x3]  }
0xea: {  	s0 =	sadd.s32 @!p0 $0x100000, s0  }
0xeb: {  	[sflag:s0] =	ssyncadd.tile.s32 @!p0 $0x1;
	_ =	shalt  }
.Lfunc_end2:
_tile_overlayer_lowered:
.L_overlay_start_2:
0xec: {  	(tag) =	ssettag $0x2  }
0xed: {  	s0 =	rddreg [dreg:$0x0];
	s2 =	stileid.u32  }
0xee: {  	s1 =	rddreg [dreg:$0x1];
	p0 =	sne.s32 s2, $0x0  }
0xef: {  	s3 =	rddreg [dreg:$0x2];
	[bflag:$0x3] =	sbarrier.arrive $0xFFFF;
	s2 =	simm.s32 @!p0 $0x1C05  }
0xf0: {  	[timem:s3], [sflag:s2] =	dma.local @!p0 [hbm:s0], s1  }
0xf1: {  	s0 =	simm.s32 @!p0 $0x5  }
0xf2: {  	_ =	swait.ge @!p0 [sflag:s0], s1  }
0xf3: {  	s1 =	ssub.s32 @!p0 $0x0, s1;
	[sflag:s0] =	ssyncset.done @!p0 $0x0  }
0xf4: {  	[sflag:s0] =	ssyncadd.s32 @!p0 s1  }
0xf5: {  	[bflag:$0x3] =	sbarrier.arrive $0xFFFF  }
0xf6: {  	_ =	shalt  }

</sc_bundles>
